<compile_context>
chip_gen: v7x
topology: tpu7x:2x2x1
jax: 0.10.2.dev20260603
libtpu: 0.0.44.dev20260713+nightly
codegen_flags: <defaults>
</compile_context>

<pallas_src>
import functools

import jax
import jax.numpy as jnp
from jax import lax
from jax.experimental import pallas as pl
from jax.experimental.pallas import tpu as pltpu
from jax.experimental.pallas import tpu_sc as plsc

N = 10000
E = 160000
D_IN = 512
H = 256
G = 16

HH = H // 2
NS = 16
CH = 128
NPH = 1
GW = 1
NCHP = -(-E // (NS * CH * NPH))
NCH = NPH * NCHP
EPT = NCH * CH
EPAD = NS * EPT
STRIPE = 640
NACC = NS * STRIPE

BN = 1000
GRID = N // BN

def _agg_body(t0_hbm, t1_hbm, src_hbm, dst_hbm, zero_hbm, out0_hbm, out1_hbm,
              acc, src_buf, dst_buf, rows_a, sem_a):
    cid = lax.axis_index("c")
    sid = lax.axis_index("s")
    r0 = sid * STRIPE
    pltpu.sync_copy(zero_hbm, acc.at[pl.ds(r0, STRIPE)])
    plsc.subcore_barrier()

    def run(table):
        for p in range(NPH):
            pltpu.sync_copy(src_hbm.at[sid, p], src_buf)
            pltpu.sync_copy(dst_hbm.at[sid, p], dst_buf)

            def body(j, carry):
                pltpu.async_copy(table.at[src_buf.at[j]], rows_a, sem_a).wait()
                pltpu.sync_copy(rows_a, acc.at[dst_buf.at[j]], add=True)
                return carry
            lax.fori_loop(0, NCHP, body, 0)

    @pl.when(cid == 0)
    def _():
        run(t0_hbm)

    @pl.when(cid == 1)
    def _():
        run(t1_hbm)

    plsc.subcore_barrier()

    @pl.when(cid == 0)
    def _():
        pltpu.sync_copy(acc.at[pl.ds(r0, STRIPE)], out0_hbm.at[pl.ds(r0, STRIPE)])

    @pl.when(cid == 1)
    def _():
        pltpu.sync_copy(acc.at[pl.ds(r0, STRIPE)], out1_hbm.at[pl.ds(r0, STRIPE)])


@functools.cache
def _get_sc_aggregate():
    mesh = plsc.VectorSubcoreMesh(core_axis_name="c", subcore_axis_name="s")
    return pl.kernel(
        _agg_body,
        out_type=(jax.ShapeDtypeStruct((NACC, HH), jnp.float32),
                  jax.ShapeDtypeStruct((NACC, HH), jnp.float32)),
        mesh=mesh,
        scratch_types=[
            pltpu.VMEM_SHARED((NACC, HH), jnp.float32),
            pltpu.VMEM((NCHP, CH), jnp.int32),
            pltpu.VMEM((NCHP, CH), jnp.int32),
            pltpu.VMEM((CH, HH), jnp.float32),
            pltpu.SemaphoreType.DMA,
        ],
    )


def _proj_body(x_ref, w_ref, t0_ref, t1_ref):
    t = jnp.dot(x_ref[...], w_ref[...], preferred_element_type=jnp.float32)
    t0_ref[...] = t[:, :HH]
    t1_ref[...] = t[:, HH:]


def _proj(x, w):
    d = x.shape[1]
    return pl.pallas_call(
        _proj_body,
        grid=(GRID,),
        in_specs=[pl.BlockSpec((BN, d), lambda i: (i, 0)),
                  pl.BlockSpec((d, H), lambda i: (0, 0))],
        out_specs=(pl.BlockSpec((BN, HH), lambda i: (i, 0)),
                   pl.BlockSpec((BN, HH), lambda i: (i, 0))),
        out_shape=(jax.ShapeDtypeStruct((N, HH), jnp.float32),
                   jax.ShapeDtypeStruct((N, HH), jnp.float32)),
    )(x, w)


def _gin_tail(t0, a0, t1, a1, ba, wb, bb):
    z = jnp.concatenate([t0[...] + a0[...], t1[...] + a1[...]], axis=1)
    z = jnp.maximum(z + ba[...], 0.0)
    return jnp.dot(z, wb[...], preferred_element_type=jnp.float32) + bb[...]


def _mid1_body(t0, a0, t1, a1, ba, wb, bb, sc, be, wn, h_ref, u0_ref, u1_ref):
    u = _gin_tail(t0, a0, t1, a1, ba, wb, bb)
    h = jnp.maximum(u, 0.0) * sc[...] + be[...]
    h_ref[...] = h
    tn = jnp.dot(h, wn[...], preferred_element_type=jnp.float32)
    u0_ref[...] = tn[:, :HH]
    u1_ref[...] = tn[:, HH:]


def _mid2_body(t0, a0, t1, a1, hp, ba, wb, bb, sc, be, wn, h_ref, u0_ref, u1_ref):
    u = _gin_tail(t0, a0, t1, a1, ba, wb, bb)
    h = (hp[...] + jnp.maximum(u, 0.0)) * sc[...] + be[...]
    h_ref[...] = h
    tn = jnp.dot(h, wn[...], preferred_element_type=jnp.float32)
    u0_ref[...] = tn[:, :HH]
    u1_ref[...] = tn[:, HH:]


def _fin_body(t0, a0, t1, a1, hp, bt, ba, wb, bb, sc, be, h_ref, g_ref):
    i = pl.program_id(0)

    @pl.when(i == 0)
    def _():
        g_ref[...] = jnp.full((G, H), -jnp.inf, jnp.float32)

    u = _gin_tail(t0, a0, t1, a1, ba, wb, bb)
    h = (hp[...] + jnp.maximum(u, 0.0)) * sc[...] + be[...]
    h_ref[...] = h
    b = bt[...]
    neg = jnp.float32(-jnp.inf)
    rows = [jnp.max(jnp.where(b == g, h, neg), axis=0) for g in range(G)]
    g_ref[...] = jnp.maximum(g_ref[...], jnp.stack(rows))


_blk = lambda: pl.BlockSpec((BN, HH), lambda i: (i, 0))
_blkH = lambda: pl.BlockSpec((BN, H), lambda i: (i, 0))
_vec = lambda: pl.BlockSpec((1, H), lambda i: (0, 0))
_mat = lambda: pl.BlockSpec((H, H), lambda i: (0, 0))


def _mid(body, args, extra_in=()):
    in_specs = [_blk(), _blk(), _blk(), _blk()] + list(extra_in) + \
               [_vec(), _mat(), _vec(), _vec(), _vec(), _mat()]
    return pl.pallas_call(
        body,
        grid=(GRID,),
        in_specs=in_specs,
        out_specs=(_blkH(), _blk(), _blk()),
        out_shape=(jax.ShapeDtypeStruct((N, H), jnp.float32),
                   jax.ShapeDtypeStruct((N, HH), jnp.float32),
                   jax.ShapeDtypeStruct((N, HH), jnp.float32)),
    )(*args)


def _fin(t0, a0, t1, a1, hp, bt, ba, wb, bb, sc, be):
    in_specs = [_blk(), _blk(), _blk(), _blk(), _blkH(),
                pl.BlockSpec((BN, 1), lambda i: (i, 0)),
                _vec(), _mat(), _vec(), _vec(), _vec()]
    return pl.pallas_call(
        _fin_body,
        grid=(GRID,),
        in_specs=in_specs,
        out_specs=(_blkH(), pl.BlockSpec((G, H), lambda i: (0, 0))),
        out_shape=(jax.ShapeDtypeStruct((N, H), jnp.float32),
                   jax.ShapeDtypeStruct((G, H), jnp.float32)),
    )(t0, a0, t1, a1, hp, bt, ba, wb, bb, sc, be)


def kernel(x, edge_index, batch,
           W1a, b1a, W1b, b1b, gamma1, beta1,
           W2a, b2a, W2b, b2b, gamma2, beta2,
           W3a, b3a, W3b, b3b, gamma3, beta3):
    inv = jnp.float32(1.0) / jnp.sqrt(jnp.float32(1.0 + 1e-5))
    s1 = (gamma1 * inv).reshape(1, H)
    s2 = (gamma2 * inv).reshape(1, H)
    s3 = (gamma3 * inv).reshape(1, H)
    be1 = beta1.reshape(1, H)
    be2 = beta2.reshape(1, H)
    be3 = beta3.reshape(1, H)
    b1a_, b1b_ = b1a.reshape(1, H), b1b.reshape(1, H)
    b2a_, b2b_ = b2a.reshape(1, H), b2b.reshape(1, H)
    b3a_, b3b_ = b3a.reshape(1, H), b3b.reshape(1, H)

    pad = EPAD - E
    src3 = jnp.concatenate(
        [edge_index[0], jnp.zeros((pad,), jnp.int32)]).reshape(NS, NPH, NCHP, CH)
    dst3 = jnp.concatenate(
        [edge_index[1],
         N + (jnp.arange(pad, dtype=jnp.int32) % (NACC - N))]).reshape(NS, NPH, NCHP, CH)
    zeros = jnp.zeros((STRIPE, HH), jnp.float32)
    bt = batch.reshape(N, 1)

    t0, t1 = _proj(x, W1a)
    a0, a1 = _get_sc_aggregate()(t0, t1, src3, dst3, zeros)
    h1, t0, t1 = _mid(_mid1_body,
                      (t0, a0, t1, a1, b1a_, W1b, b1b_, s1, be1, W2a))
    a0, a1 = _get_sc_aggregate()(t0, t1, src3, dst3, zeros)
    h2, t0, t1 = _mid(_mid2_body,
                      (t0, a0, t1, a1, h1, b2a_, W2b, b2b_, s2, be2, W3a),
                      extra_in=(_blkH(),))
    a0, a1 = _get_sc_aggregate()(t0, t1, src3, dst3, zeros)
    h3, g_level = _fin(t0, a0, t1, a1, h2, bt, b3a_, W3b, b3b_, s3, be3)
    return (h3, g_level)

# --- scband reference (transcript-rebuilt; emitter-appended) ---
"""Pipeline reference for scband-graph-cnn-p-25709674233955 (READ-ONLY COPY).

The authoritative reference and input builder live on the scoring server;
editing this copy changes nothing except your own understanding.
"""

import jax, jax.numpy as jnp
import numpy as np

N = 10000
E = 160000
D_IN = 512
H = 256
G = 16


def _lin(key, fan_in, fan_out):
    s = 1.0 / np.sqrt(fan_in)
    return jax.random.uniform(key, (fan_in, fan_out), minval=-s, maxval=s, dtype=jnp.float32)


def setup_inputs(seed: int = 0) -> dict:
    key = jax.random.key(seed)
    kit = iter(list(jax.random.split(key, 40)))
    inp = {}
    inp["x"] = jax.random.normal(next(kit), (N, D_IN), dtype=jnp.float32)
    inp["edge_index"] = jax.random.randint(next(kit), (2, E), 0, N, dtype=jnp.int32)
    # batch ids: sorted, guaranteed to cover all G graphs (avoids empty segments)
    tail = jax.random.randint(next(kit), (N - G,), 0, G, dtype=jnp.int32)
    inp["batch"] = jnp.sort(jnp.concatenate([jnp.arange(G, dtype=jnp.int32), tail]))
    dims = [(D_IN, H), (H, H), (H, H)]
    for i, (fi, fo) in enumerate(dims, start=1):
        inp[f"W{i}a"] = _lin(next(kit), fi, fo)
        inp[f"b{i}a"] = jnp.zeros((fo,), jnp.float32)
        inp[f"W{i}b"] = _lin(next(kit), fo, fo)
        inp[f"b{i}b"] = jnp.zeros((fo,), jnp.float32)
        inp[f"gamma{i}"] = jnp.ones((fo,), jnp.float32)
        inp[f"beta{i}"] = jnp.zeros((fo,), jnp.float32)
    return inp


def reference(x, edge_index, batch,
              W1a, b1a, W1b, b1b, gamma1, beta1,
              W2a, b2a, W2b, b2b, gamma2, beta2,
              W3a, b3a, W3b, b3b, gamma3, beta3):
    # eval mode: dropout = identity, BatchNorm uses running stats (mean=0, var=1)
    src = edge_index[0]
    dst = edge_index[1]

    def gin(h, Wa, ba, Wb, bb):
        # GINConv (eps=0): nn((1+eps)*x_i + sum_{j->i} x_j), messages src -> dst
        agg = jnp.zeros((h.shape[0], h.shape[1]), h.dtype).at[dst].add(h[src])
        z = h + agg
        return jax.nn.relu(z @ Wa + ba) @ Wb + bb

    def bn(h, g, b):
        return (h / jnp.sqrt(1.0 + 1e-5)) * g + b

    h = bn(jax.nn.relu(gin(x, W1a, b1a, W1b, b1b)), gamma1, beta1)
    h = bn(h + jax.nn.relu(gin(h, W2a, b2a, W2b, b2b)), gamma2, beta2)
    h = bn(h + jax.nn.relu(gin(h, W3a, b3a, W3b, b3b)), gamma3, beta3)
    # pooling != 'MTP' -> global max pool over graphs in the batch
    g_level = jax.ops.segment_max(h, batch, num_segments=G)
    return (h, g_level)

if __name__ == "__main__":
    import jax
    _d = setup_inputs()
    print(jax.jit(kernel)(*tuple(_d.values())))

</pallas_src>

<mosaic_0001>
#map = affine_map<(d0, d1) -> (0, 0)>
#map1 = affine_map<(d0, d1) -> (0, 0, 0, 0)>
module attributes {stable_mosaic.version = 14 : i64} {
  func.func @_agg_body(%arg0: i32, %arg1: i32, %arg2: memref<10000x128xf32, #tpu.memory_space<hbm>>, %arg3: memref<10000x128xf32, #tpu.memory_space<hbm>>, %arg4: memref<16x1x79x128xi32, #tpu.memory_space<hbm>>, %arg5: memref<16x1x79x128xi32, #tpu.memory_space<hbm>>, %arg6: memref<640x128xf32, #tpu.memory_space<hbm>>, %arg7: memref<10240x128xf32, #tpu.memory_space<hbm>>, %arg8: memref<10240x128xf32, #tpu.memory_space<hbm>>, %arg9: memref<10240x128xf32, #tpu.memory_space<vmem_shared>>, %arg10: memref<79x128xi32, #tpu.memory_space<vmem>>, %arg11: memref<79x128xi32, #tpu.memory_space<vmem>>, %arg12: memref<128x128xf32, #tpu.memory_space<vmem>>, %arg13: memref<!tpu.dma_semaphore, #tpu.memory_space<semaphore_mem>>) attributes {dimension_semantics = [#tpu.dimension_semantics<core_parallel>, #tpu.dimension_semantics<subcore_parallel>], iteration_bounds = array<i64: 2, 16>, scalar_prefetch = 0 : i64, scratch_operands = 5 : i64, tpu.core_type = #tpu.core_type<sc_vector_subcore>, window_params = [{transform_indices = #map}, {transform_indices = #map}, {transform_indices = #map1}, {transform_indices = #map1}, {transform_indices = #map}, {transform_indices = #map}, {transform_indices = #map}]} {
    %mul3A = arith.constant 640 : i32
    %mul3A_0 = arith.muli %arg1, %mul3A : i32
    "tpu.region"() ({
      %run_scoped3A = tpu.sem_alloc : memref<!tpu.dma_semaphore, #tpu.memory_space<semaphore_mem>>
      %dma_start3A = arith.constant 0 : i32
      %dma_start3A_19 = tpu.memref_slice %arg9[%mul3A_0, %dma_start3A] : memref<10240x128xf32, #tpu.memory_space<vmem_shared>> -> memref<640x128xf32, #tpu.memory_space<vmem_shared>>
      tpu.enqueue_dma source(%arg6 : memref<640x128xf32, #tpu.memory_space<hbm>>) target(%dma_start3A_19 : memref<640x128xf32, #tpu.memory_space<vmem_shared>>) target_semaphore(%run_scoped3A : memref<!tpu.dma_semaphore, #tpu.memory_space<semaphore_mem>>)
      %dma_wait3A = arith.constant 0 : i32
      %dma_wait3A_20 = tpu.memref_slice %arg9[%mul3A_0, %dma_wait3A] : memref<10240x128xf32, #tpu.memory_space<vmem_shared>> -> memref<640x128xf32, #tpu.memory_space<vmem_shared>>
      tpu.wait_dma2 semaphore(%run_scoped3A : memref<!tpu.dma_semaphore, #tpu.memory_space<semaphore_mem>>) src(%arg6 : memref<640x128xf32, #tpu.memory_space<hbm>>) dst(%dma_wait3A_20 : memref<640x128xf32, #tpu.memory_space<vmem_shared>>)
      tpu.yield
    }) : () -> ()
    %barrier3A = arith.constant 0 : index
    tpu.barrier barrier_id(%barrier3A)
    %eq3A = arith.constant 0 : i32
    %eq3A_1 = arith.cmpi eq, %arg0, %eq3A : i32
    %convert_element_type3A = arith.extui %eq3A_1 : i1 to i32
    %cond3A = arith.constant 0 : i32
    %cond3A_2 = arith.cmpi ne, %convert_element_type3A, %cond3A : i32
    scf.if %cond3A_2 {
      %run_scoped3A = arith.constant 0 : i32
      "tpu.region"() ({
        %run_scoped3A_25 = tpu.sem_alloc : memref<!tpu.dma_semaphore, #tpu.memory_space<semaphore_mem>>
        %dma_start3A = arith.constant 0 : i32
        %dma_start3A_26 = arith.constant 0 : i32
        %dma_start3A_27 = tpu.memref_slice %arg4[%arg1, %run_scoped3A, %dma_start3A, %dma_start3A_26] : memref<16x1x79x128xi32, #tpu.memory_space<hbm>> -> memref<1x1x79x128xi32, #tpu.memory_space<hbm>>
        %dma_start3A_28 = tpu.memref_squeeze %dma_start3A_27 : memref<1x1x79x128xi32, #tpu.memory_space<hbm>> -> memref<79x128xi32, #tpu.memory_space<hbm>>
        %dma_start3A_29 = arith.constant 0 : i32
        %dma_start3A_30 = arith.constant 0 : i32
        %dma_start3A_31 = tpu.memref_slice %arg4[%arg1, %run_scoped3A, %dma_start3A_29, %dma_start3A_30] : memref<16x1x79x128xi32, #tpu.memory_space<hbm>> -> memref<1x1x79x128xi32, #tpu.memory_space<hbm>>
        %dma_start3A_32 = tpu.memref_squeeze %dma_start3A_31 : memref<1x1x79x128xi32, #tpu.memory_space<hbm>> -> memref<79x128xi32, #tpu.memory_space<hbm>>
        tpu.enqueue_dma source(%dma_start3A_32 : memref<79x128xi32, #tpu.memory_space<hbm>>) target(%arg10 : memref<79x128xi32, #tpu.memory_space<vmem>>) target_semaphore(%run_scoped3A_25 : memref<!tpu.dma_semaphore, #tpu.memory_space<semaphore_mem>>)
        %dma_wait3A = arith.constant 0 : i32
        %dma_wait3A_33 = arith.constant 0 : i32
        %dma_wait3A_34 = tpu.memref_slice %arg4[%arg1, %run_scoped3A, %dma_wait3A, %dma_wait3A_33] : memref<16x1x79x128xi32, #tpu.memory_space<hbm>> -> memref<1x1x79x128xi32, #tpu.memory_space<hbm>>
        %dma_wait3A_35 = tpu.memref_squeeze %dma_wait3A_34 : memref<1x1x79x128xi32, #tpu.memory_space<hbm>> -> memref<79x128xi32, #tpu.memory_space<hbm>>
        %dma_wait3A_36 = arith.constant 0 : i32
        %dma_wait3A_37 = arith.constant 0 : i32
        %dma_wait3A_38 = tpu.memref_slice %arg4[%arg1, %run_scoped3A, %dma_wait3A_36, %dma_wait3A_37] : memref<16x1x79x128xi32, #tpu.memory_space<hbm>> -> memref<1x1x79x128xi32, #tpu.memory_space<hbm>>
        %dma_wait3A_39 = tpu.memref_squeeze %dma_wait3A_38 : memref<1x1x79x128xi32, #tpu.memory_space<hbm>> -> memref<79x128xi32, #tpu.memory_space<hbm>>
        tpu.wait_dma2 semaphore(%run_scoped3A_25 : memref<!tpu.dma_semaphore, #tpu.memory_space<semaphore_mem>>) src(%dma_wait3A_39 : memref<79x128xi32, #tpu.memory_space<hbm>>) dst(%arg10 : memref<79x128xi32, #tpu.memory_space<vmem>>)
        tpu.yield
      }) : () -> ()
      %run_scoped3A_19 = arith.constant 0 : i32
      "tpu.region"() ({
        %run_scoped3A_25 = tpu.sem_alloc : memref<!tpu.dma_semaphore, #tpu.memory_space<semaphore_mem>>
        %dma_start3A = arith.constant 0 : i32
        %dma_start3A_26 = arith.constant 0 : i32
        %dma_start3A_27 = tpu.memref_slice %arg5[%arg1, %run_scoped3A_19, %dma_start3A, %dma_start3A_26] : memref<16x1x79x128xi32, #tpu.memory_space<hbm>> -> memref<1x1x79x128xi32, #tpu.memory_space<hbm>>
        %dma_start3A_28 = tpu.memref_squeeze %dma_start3A_27 : memref<1x1x79x128xi32, #tpu.memory_space<hbm>> -> memref<79x128xi32, #tpu.memory_space<hbm>>
        %dma_start3A_29 = arith.constant 0 : i32
        %dma_start3A_30 = arith.constant 0 : i32
        %dma_start3A_31 = tpu.memref_slice %arg5[%arg1, %run_scoped3A_19, %dma_start3A_29, %dma_start3A_30] : memref<16x1x79x128xi32, #tpu.memory_space<hbm>> -> memref<1x1x79x128xi32, #tpu.memory_space<hbm>>
        %dma_start3A_32 = tpu.memref_squeeze %dma_start3A_31 : memref<1x1x79x128xi32, #tpu.memory_space<hbm>> -> memref<79x128xi32, #tpu.memory_space<hbm>>
        tpu.enqueue_dma source(%dma_start3A_32 : memref<79x128xi32, #tpu.memory_space<hbm>>) target(%arg11 : memref<79x128xi32, #tpu.memory_space<vmem>>) target_semaphore(%run_scoped3A_25 : memref<!tpu.dma_semaphore, #tpu.memory_space<semaphore_mem>>)
        %dma_wait3A = arith.constant 0 : i32
        %dma_wait3A_33 = arith.constant 0 : i32
        %dma_wait3A_34 = tpu.memref_slice %arg5[%arg1, %run_scoped3A_19, %dma_wait3A, %dma_wait3A_33] : memref<16x1x79x128xi32, #tpu.memory_space<hbm>> -> memref<1x1x79x128xi32, #tpu.memory_space<hbm>>
        %dma_wait3A_35 = tpu.memref_squeeze %dma_wait3A_34 : memref<1x1x79x128xi32, #tpu.memory_space<hbm>> -> memref<79x128xi32, #tpu.memory_space<hbm>>
        %dma_wait3A_36 = arith.constant 0 : i32
        %dma_wait3A_37 = arith.constant 0 : i32
        %dma_wait3A_38 = tpu.memref_slice %arg5[%arg1, %run_scoped3A_19, %dma_wait3A_36, %dma_wait3A_37] : memref<16x1x79x128xi32, #tpu.memory_space<hbm>> -> memref<1x1x79x128xi32, #tpu.memory_space<hbm>>
        %dma_wait3A_39 = tpu.memref_squeeze %dma_wait3A_38 : memref<1x1x79x128xi32, #tpu.memory_space<hbm>> -> memref<79x128xi32, #tpu.memory_space<hbm>>
        tpu.wait_dma2 semaphore(%run_scoped3A_25 : memref<!tpu.dma_semaphore, #tpu.memory_space<semaphore_mem>>) src(%dma_wait3A_39 : memref<79x128xi32, #tpu.memory_space<hbm>>) dst(%arg11 : memref<79x128xi32, #tpu.memory_space<vmem>>)
        tpu.yield
      }) : () -> ()
      %scan3A = arith.constant 0 : i32
      %scan3A_20 = arith.constant 0 : i32
      %scan3A_21 = arith.constant 79 : i32
      %scan3A_22 = arith.addi %scan3A_20, %scan3A_21 : i32
      %scan3A_23 = arith.constant 1 : i32
      scf.for %scan3A_25 = %scan3A_20 to %scan3A_22 step %scan3A_23  : i32 {
        %dma_start3A = arith.constant 0 : i32
        %dma_start3A_26 = tpu.memref_slice %arg10[%scan3A_25, %dma_start3A] : memref<79x128xi32, #tpu.memory_space<vmem>> -> memref<1x128xi32, #tpu.memory_space<vmem>>
        %dma_start3A_27 = tpu.memref_squeeze %dma_start3A_26 : memref<1x128xi32, #tpu.memory_space<vmem>> -> memref<128xi32, #tpu.memory_space<vmem>>
        %dma_start3A_28 = arith.constant 0 : i32
        %dma_start3A_29 = arith.constant 0 : i32
        %dma_start3A_30 = tpu.memref_slice %arg2[%dma_start3A_28, %dma_start3A_29] : memref<10000x128xf32, #tpu.memory_space<hbm>> -> memref<10000x128xf32, #tpu.memory_space<hbm>>
        tpu.enqueue_indirect_dma source(%dma_start3A_30 : memref<10000x128xf32, #tpu.memory_space<hbm>>) target(%arg12 : memref<128x128xf32, #tpu.memory_space<vmem>>) offsets(%dma_start3A_27 : memref<128xi32, #tpu.memory_space<vmem>>) semaphore(%arg13 : memref<!tpu.dma_semaphore, #tpu.memory_space<semaphore_mem>>)
        %dma_wait3A = arith.constant 0 : i32
        %dma_wait3A_31 = tpu.memref_slice %arg10[%scan3A_25, %dma_wait3A] : memref<79x128xi32, #tpu.memory_space<vmem>> -> memref<1x128xi32, #tpu.memory_space<vmem>>
        %dma_wait3A_32 = tpu.memref_squeeze %dma_wait3A_31 : memref<1x128xi32, #tpu.memory_space<vmem>> -> memref<128xi32, #tpu.memory_space<vmem>>
        %dma_wait3A_33 = arith.constant 0 : i32
        %dma_wait3A_34 = arith.constant 0 : i32
        %dma_wait3A_35 = tpu.memref_slice %arg2[%dma_wait3A_33, %dma_wait3A_34] : memref<10000x128xf32, #tpu.memory_space<hbm>> -> memref<10000x128xf32, #tpu.memory_space<hbm>>
        tpu.wait_indirect_dma semaphore(%arg13 : memref<!tpu.dma_semaphore, #tpu.memory_space<semaphore_mem>>) src(%dma_wait3A_35 : memref<10000x128xf32, #tpu.memory_space<hbm>>) dst(%arg12 : memref<128x128xf32, #tpu.memory_space<vmem>>)
        "tpu.region"() ({
          %run_scoped3A_36 = tpu.sem_alloc : memref<!tpu.dma_semaphore, #tpu.memory_space<semaphore_mem>>
          %dma_start3A_37 = arith.constant 0 : i32
          %dma_start3A_38 = tpu.memref_slice %arg11[%scan3A_25, %dma_start3A_37] : memref<79x128xi32, #tpu.memory_space<vmem>> -> memref<1x128xi32, #tpu.memory_space<vmem>>
          %dma_start3A_39 = tpu.memref_squeeze %dma_start3A_38 : memref<1x128xi32, #tpu.memory_space<vmem>> -> memref<128xi32, #tpu.memory_space<vmem>>
          %dma_start3A_40 = arith.constant 0 : i32
          %dma_start3A_41 = arith.constant 0 : i32
          %dma_start3A_42 = tpu.memref_slice %arg9[%dma_start3A_40, %dma_start3A_41] : memref<10240x128xf32, #tpu.memory_space<vmem_shared>> -> memref<10240x128xf32, #tpu.memory_space<vmem_shared>>
          tpu.enqueue_indirect_dma source(%arg12 : memref<128x128xf32, #tpu.memory_space<vmem>>) target(%dma_start3A_42 : memref<10240x128xf32, #tpu.memory_space<vmem_shared>>) offsets(%dma_start3A_39 : memref<128xi32, #tpu.memory_space<vmem>>) semaphore(%run_scoped3A_36 : memref<!tpu.dma_semaphore, #tpu.memory_space<semaphore_mem>>) {add = true}
          %dma_wait3A_43 = arith.constant 0 : i32
          %dma_wait3A_44 = tpu.memref_slice %arg11[%scan3A_25, %dma_wait3A_43] : memref<79x128xi32, #tpu.memory_space<vmem>> -> memref<1x128xi32, #tpu.memory_space<vmem>>
          %dma_wait3A_45 = tpu.memref_squeeze %dma_wait3A_44 : memref<1x128xi32, #tpu.memory_space<vmem>> -> memref<128xi32, #tpu.memory_space<vmem>>
          %dma_wait3A_46 = arith.constant 0 : i32
          %dma_wait3A_47 = arith.constant 0 : i32
          %dma_wait3A_48 = tpu.memref_slice %arg9[%dma_wait3A_46, %dma_wait3A_47] : memref<10240x128xf32, #tpu.memory_space<vmem_shared>> -> memref<10240x128xf32, #tpu.memory_space<vmem_shared>>
          tpu.wait_indirect_dma semaphore(%run_scoped3A_36 : memref<!tpu.dma_semaphore, #tpu.memory_space<semaphore_mem>>) src(%arg12 : memref<128x128xf32, #tpu.memory_space<vmem>>) dst(%dma_wait3A_48 : memref<10240x128xf32, #tpu.memory_space<vmem_shared>>)
          tpu.yield
        }) : () -> ()
      }
      %scan3A_24 = arith.constant 79 : i32
    } else {
    }
    %eq3A_3 = arith.constant 1 : i32
    %eq3A_4 = arith.cmpi eq, %arg0, %eq3A_3 : i32
    %convert_element_type3A_5 = arith.extui %eq3A_4 : i1 to i32
    %cond3A_6 = arith.constant 0 : i32
    %cond3A_7 = arith.cmpi ne, %convert_element_type3A_5, %cond3A_6 : i32
    scf.if %cond3A_7 {
      %run_scoped3A = arith.constant 0 : i32
      "tpu.region"() ({
        %run_scoped3A_25 = tpu.sem_alloc : memref<!tpu.dma_semaphore, #tpu.memory_space<semaphore_mem>>
        %dma_start3A = arith.constant 0 : i32
        %dma_start3A_26 = arith.constant 0 : i32
        %dma_start3A_27 = tpu.memref_slice %arg4[%arg1, %run_scoped3A, %dma_start3A, %dma_start3A_26] : memref<16x1x79x128xi32, #tpu.memory_space<hbm>> -> memref<1x1x79x128xi32, #tpu.memory_space<hbm>>
        %dma_start3A_28 = tpu.memref_squeeze %dma_start3A_27 : memref<1x1x79x128xi32, #tpu.memory_space<hbm>> -> memref<79x128xi32, #tpu.memory_space<hbm>>
        %dma_start3A_29 = arith.constant 0 : i32
        %dma_start3A_30 = arith.constant 0 : i32
        %dma_start3A_31 = tpu.memref_slice %arg4[%arg1, %run_scoped3A, %dma_start3A_29, %dma_start3A_30] : memref<16x1x79x128xi32, #tpu.memory_space<hbm>> -> memref<1x1x79x128xi32, #tpu.memory_space<hbm>>
        %dma_start3A_32 = tpu.memref_squeeze %dma_start3A_31 : memref<1x1x79x128xi32, #tpu.memory_space<hbm>> -> memref<79x128xi32, #tpu.memory_space<hbm>>
        tpu.enqueue_dma source(%dma_start3A_32 : memref<79x128xi32, #tpu.memory_space<hbm>>) target(%arg10 : memref<79x128xi32, #tpu.memory_space<vmem>>) target_semaphore(%run_scoped3A_25 : memref<!tpu.dma_semaphore, #tpu.memory_space<semaphore_mem>>)
        %dma_wait3A = arith.constant 0 : i32
        %dma_wait3A_33 = arith.constant 0 : i32
        %dma_wait3A_34 = tpu.memref_slice %arg4[%arg1, %run_scoped3A, %dma_wait3A, %dma_wait3A_33] : memref<16x1x79x128xi32, #tpu.memory_space<hbm>> -> memref<1x1x79x128xi32, #tpu.memory_space<hbm>>
        %dma_wait3A_35 = tpu.memref_squeeze %dma_wait3A_34 : memref<1x1x79x128xi32, #tpu.memory_space<hbm>> -> memref<79x128xi32, #tpu.memory_space<hbm>>
        %dma_wait3A_36 = arith.constant 0 : i32
        %dma_wait3A_37 = arith.constant 0 : i32
        %dma_wait3A_38 = tpu.memref_slice %arg4[%arg1, %run_scoped3A, %dma_wait3A_36, %dma_wait3A_37] : memref<16x1x79x128xi32, #tpu.memory_space<hbm>> -> memref<1x1x79x128xi32, #tpu.memory_space<hbm>>
        %dma_wait3A_39 = tpu.memref_squeeze %dma_wait3A_38 : memref<1x1x79x128xi32, #tpu.memory_space<hbm>> -> memref<79x128xi32, #tpu.memory_space<hbm>>
        tpu.wait_dma2 semaphore(%run_scoped3A_25 : memref<!tpu.dma_semaphore, #tpu.memory_space<semaphore_mem>>) src(%dma_wait3A_39 : memref<79x128xi32, #tpu.memory_space<hbm>>) dst(%arg10 : memref<79x128xi32, #tpu.memory_space<vmem>>)
        tpu.yield
      }) : () -> ()
      %run_scoped3A_19 = arith.constant 0 : i32
      "tpu.region"() ({
        %run_scoped3A_25 = tpu.sem_alloc : memref<!tpu.dma_semaphore, #tpu.memory_space<semaphore_mem>>
        %dma_start3A = arith.constant 0 : i32
        %dma_start3A_26 = arith.constant 0 : i32
        %dma_start3A_27 = tpu.memref_slice %arg5[%arg1, %run_scoped3A_19, %dma_start3A, %dma_start3A_26] : memref<16x1x79x128xi32, #tpu.memory_space<hbm>> -> memref<1x1x79x128xi32, #tpu.memory_space<hbm>>
        %dma_start3A_28 = tpu.memref_squeeze %dma_start3A_27 : memref<1x1x79x128xi32, #tpu.memory_space<hbm>> -> memref<79x128xi32, #tpu.memory_space<hbm>>
        %dma_start3A_29 = arith.constant 0 : i32
        %dma_start3A_30 = arith.constant 0 : i32
        %dma_start3A_31 = tpu.memref_slice %arg5[%arg1, %run_scoped3A_19, %dma_start3A_29, %dma_start3A_30] : memref<16x1x79x128xi32, #tpu.memory_space<hbm>> -> memref<1x1x79x128xi32, #tpu.memory_space<hbm>>
        %dma_start3A_32 = tpu.memref_squeeze %dma_start3A_31 : memref<1x1x79x128xi32, #tpu.memory_space<hbm>> -> memref<79x128xi32, #tpu.memory_space<hbm>>
        tpu.enqueue_dma source(%dma_start3A_32 : memref<79x128xi32, #tpu.memory_space<hbm>>) target(%arg11 : memref<79x128xi32, #tpu.memory_space<vmem>>) target_semaphore(%run_scoped3A_25 : memref<!tpu.dma_semaphore, #tpu.memory_space<semaphore_mem>>)
        %dma_wait3A = arith.constant 0 : i32
        %dma_wait3A_33 = arith.constant 0 : i32
        %dma_wait3A_34 = tpu.memref_slice %arg5[%arg1, %run_scoped3A_19, %dma_wait3A, %dma_wait3A_33] : memref<16x1x79x128xi32, #tpu.memory_space<hbm>> -> memref<1x1x79x128xi32, #tpu.memory_space<hbm>>
        %dma_wait3A_35 = tpu.memref_squeeze %dma_wait3A_34 : memref<1x1x79x128xi32, #tpu.memory_space<hbm>> -> memref<79x128xi32, #tpu.memory_space<hbm>>
        %dma_wait3A_36 = arith.constant 0 : i32
        %dma_wait3A_37 = arith.constant 0 : i32
        %dma_wait3A_38 = tpu.memref_slice %arg5[%arg1, %run_scoped3A_19, %dma_wait3A_36, %dma_wait3A_37] : memref<16x1x79x128xi32, #tpu.memory_space<hbm>> -> memref<1x1x79x128xi32, #tpu.memory_space<hbm>>
        %dma_wait3A_39 = tpu.memref_squeeze %dma_wait3A_38 : memref<1x1x79x128xi32, #tpu.memory_space<hbm>> -> memref<79x128xi32, #tpu.memory_space<hbm>>
        tpu.wait_dma2 semaphore(%run_scoped3A_25 : memref<!tpu.dma_semaphore, #tpu.memory_space<semaphore_mem>>) src(%dma_wait3A_39 : memref<79x128xi32, #tpu.memory_space<hbm>>) dst(%arg11 : memref<79x128xi32, #tpu.memory_space<vmem>>)
        tpu.yield
      }) : () -> ()
      %scan3A = arith.constant 0 : i32
      %scan3A_20 = arith.constant 0 : i32
      %scan3A_21 = arith.constant 79 : i32
      %scan3A_22 = arith.addi %scan3A_20, %scan3A_21 : i32
      %scan3A_23 = arith.constant 1 : i32
      scf.for %scan3A_25 = %scan3A_20 to %scan3A_22 step %scan3A_23  : i32 {
        %dma_start3A = arith.constant 0 : i32
        %dma_start3A_26 = tpu.memref_slice %arg10[%scan3A_25, %dma_start3A] : memref<79x128xi32, #tpu.memory_space<vmem>> -> memref<1x128xi32, #tpu.memory_space<vmem>>
        %dma_start3A_27 = tpu.memref_squeeze %dma_start3A_26 : memref<1x128xi32, #tpu.memory_space<vmem>> -> memref<128xi32, #tpu.memory_space<vmem>>
        %dma_start3A_28 = arith.constant 0 : i32
        %dma_start3A_29 = arith.constant 0 : i32
        %dma_start3A_30 = tpu.memref_slice %arg3[%dma_start3A_28, %dma_start3A_29] : memref<10000x128xf32, #tpu.memory_space<hbm>> -> memref<10000x128xf32, #tpu.memory_space<hbm>>
        tpu.enqueue_indirect_dma source(%dma_start3A_30 : memref<10000x128xf32, #tpu.memory_space<hbm>>) target(%arg12 : memref<128x128xf32, #tpu.memory_space<vmem>>) offsets(%dma_start3A_27 : memref<128xi32, #tpu.memory_space<vmem>>) semaphore(%arg13 : memref<!tpu.dma_semaphore, #tpu.memory_space<semaphore_mem>>)
        %dma_wait3A = arith.constant 0 : i32
        %dma_wait3A_31 = tpu.memref_slice %arg10[%scan3A_25, %dma_wait3A] : memref<79x128xi32, #tpu.memory_space<vmem>> -> memref<1x128xi32, #tpu.memory_space<vmem>>
        %dma_wait3A_32 = tpu.memref_squeeze %dma_wait3A_31 : memref<1x128xi32, #tpu.memory_space<vmem>> -> memref<128xi32, #tpu.memory_space<vmem>>
        %dma_wait3A_33 = arith.constant 0 : i32
        %dma_wait3A_34 = arith.constant 0 : i32
        %dma_wait3A_35 = tpu.memref_slice %arg3[%dma_wait3A_33, %dma_wait3A_34] : memref<10000x128xf32, #tpu.memory_space<hbm>> -> memref<10000x128xf32, #tpu.memory_space<hbm>>
        tpu.wait_indirect_dma semaphore(%arg13 : memref<!tpu.dma_semaphore, #tpu.memory_space<semaphore_mem>>) src(%dma_wait3A_35 : memref<10000x128xf32, #tpu.memory_space<hbm>>) dst(%arg12 : memref<128x128xf32, #tpu.memory_space<vmem>>)
        "tpu.region"() ({
          %run_scoped3A_36 = tpu.sem_alloc : memref<!tpu.dma_semaphore, #tpu.memory_space<semaphore_mem>>
          %dma_start3A_37 = arith.constant 0 : i32
          %dma_start3A_38 = tpu.memref_slice %arg11[%scan3A_25, %dma_start3A_37] : memref<79x128xi32, #tpu.memory_space<vmem>> -> memref<1x128xi32, #tpu.memory_space<vmem>>
          %dma_start3A_39 = tpu.memref_squeeze %dma_start3A_38 : memref<1x128xi32, #tpu.memory_space<vmem>> -> memref<128xi32, #tpu.memory_space<vmem>>
          %dma_start3A_40 = arith.constant 0 : i32
          %dma_start3A_41 = arith.constant 0 : i32
          %dma_start3A_42 = tpu.memref_slice %arg9[%dma_start3A_40, %dma_start3A_41] : memref<10240x128xf32, #tpu.memory_space<vmem_shared>> -> memref<10240x128xf32, #tpu.memory_space<vmem_shared>>
          tpu.enqueue_indirect_dma source(%arg12 : memref<128x128xf32, #tpu.memory_space<vmem>>) target(%dma_start3A_42 : memref<10240x128xf32, #tpu.memory_space<vmem_shared>>) offsets(%dma_start3A_39 : memref<128xi32, #tpu.memory_space<vmem>>) semaphore(%run_scoped3A_36 : memref<!tpu.dma_semaphore, #tpu.memory_space<semaphore_mem>>) {add = true}
          %dma_wait3A_43 = arith.constant 0 : i32
          %dma_wait3A_44 = tpu.memref_slice %arg11[%scan3A_25, %dma_wait3A_43] : memref<79x128xi32, #tpu.memory_space<vmem>> -> memref<1x128xi32, #tpu.memory_space<vmem>>
          %dma_wait3A_45 = tpu.memref_squeeze %dma_wait3A_44 : memref<1x128xi32, #tpu.memory_space<vmem>> -> memref<128xi32, #tpu.memory_space<vmem>>
          %dma_wait3A_46 = arith.constant 0 : i32
          %dma_wait3A_47 = arith.constant 0 : i32
          %dma_wait3A_48 = tpu.memref_slice %arg9[%dma_wait3A_46, %dma_wait3A_47] : memref<10240x128xf32, #tpu.memory_space<vmem_shared>> -> memref<10240x128xf32, #tpu.memory_space<vmem_shared>>
          tpu.wait_indirect_dma semaphore(%run_scoped3A_36 : memref<!tpu.dma_semaphore, #tpu.memory_space<semaphore_mem>>) src(%arg12 : memref<128x128xf32, #tpu.memory_space<vmem>>) dst(%dma_wait3A_48 : memref<10240x128xf32, #tpu.memory_space<vmem_shared>>)
          tpu.yield
        }) : () -> ()
      }
      %scan3A_24 = arith.constant 79 : i32
    } else {
    }
    %barrier3A_8 = arith.constant 0 : index
    tpu.barrier barrier_id(%barrier3A_8)
    %eq3A_9 = arith.constant 0 : i32
    %eq3A_10 = arith.cmpi eq, %arg0, %eq3A_9 : i32
    %convert_element_type3A_11 = arith.extui %eq3A_10 : i1 to i32
    %cond3A_12 = arith.constant 0 : i32
    %cond3A_13 = arith.cmpi ne, %convert_element_type3A_11, %cond3A_12 : i32
    scf.if %cond3A_13 {
      "tpu.region"() ({
        %run_scoped3A = tpu.sem_alloc : memref<!tpu.dma_semaphore, #tpu.memory_space<semaphore_mem>>
        %dma_start3A = arith.constant 0 : i32
        %dma_start3A_19 = tpu.memref_slice %arg7[%mul3A_0, %dma_start3A] : memref<10240x128xf32, #tpu.memory_space<hbm>> -> memref<640x128xf32, #tpu.memory_space<hbm>>
        %dma_start3A_20 = arith.constant 0 : i32
        %dma_start3A_21 = tpu.memref_slice %arg9[%mul3A_0, %dma_start3A_20] : memref<10240x128xf32, #tpu.memory_space<vmem_shared>> -> memref<640x128xf32, #tpu.memory_space<vmem_shared>>
        tpu.enqueue_dma source(%dma_start3A_21 : memref<640x128xf32, #tpu.memory_space<vmem_shared>>) target(%dma_start3A_19 : memref<640x128xf32, #tpu.memory_space<hbm>>) target_semaphore(%run_scoped3A : memref<!tpu.dma_semaphore, #tpu.memory_space<semaphore_mem>>)
        %dma_wait3A = arith.constant 0 : i32
        %dma_wait3A_22 = tpu.memref_slice %arg7[%mul3A_0, %dma_wait3A] : memref<10240x128xf32, #tpu.memory_space<hbm>> -> memref<640x128xf32, #tpu.memory_space<hbm>>
        %dma_wait3A_23 = arith.constant 0 : i32
        %dma_wait3A_24 = tpu.memref_slice %arg9[%mul3A_0, %dma_wait3A_23] : memref<10240x128xf32, #tpu.memory_space<vmem_shared>> -> memref<640x128xf32, #tpu.memory_space<vmem_shared>>
        tpu.wait_dma2 semaphore(%run_scoped3A : memref<!tpu.dma_semaphore, #tpu.memory_space<semaphore_mem>>) src(%dma_wait3A_24 : memref<640x128xf32, #tpu.memory_space<vmem_shared>>) dst(%dma_wait3A_22 : memref<640x128xf32, #tpu.memory_space<hbm>>)
        tpu.yield
      }) : () -> ()
    } else {
    }
    %eq3A_14 = arith.constant 1 : i32
    %eq3A_15 = arith.cmpi eq, %arg0, %eq3A_14 : i32
    %convert_element_type3A_16 = arith.extui %eq3A_15 : i1 to i32
    %cond3A_17 = arith.constant 0 : i32
    %cond3A_18 = arith.cmpi ne, %convert_element_type3A_16, %cond3A_17 : i32
    scf.if %cond3A_18 {
      "tpu.region"() ({
        %run_scoped3A = tpu.sem_alloc : memref<!tpu.dma_semaphore, #tpu.memory_space<semaphore_mem>>
        %dma_start3A = arith.constant 0 : i32
        %dma_start3A_19 = tpu.memref_slice %arg8[%mul3A_0, %dma_start3A] : memref<10240x128xf32, #tpu.memory_space<hbm>> -> memref<640x128xf32, #tpu.memory_space<hbm>>
        %dma_start3A_20 = arith.constant 0 : i32
        %dma_start3A_21 = tpu.memref_slice %arg9[%mul3A_0, %dma_start3A_20] : memref<10240x128xf32, #tpu.memory_space<vmem_shared>> -> memref<640x128xf32, #tpu.memory_space<vmem_shared>>
        tpu.enqueue_dma source(%dma_start3A_21 : memref<640x128xf32, #tpu.memory_space<vmem_shared>>) target(%dma_start3A_19 : memref<640x128xf32, #tpu.memory_space<hbm>>) target_semaphore(%run_scoped3A : memref<!tpu.dma_semaphore, #tpu.memory_space<semaphore_mem>>)
        %dma_wait3A = arith.constant 0 : i32
        %dma_wait3A_22 = tpu.memref_slice %arg8[%mul3A_0, %dma_wait3A] : memref<10240x128xf32, #tpu.memory_space<hbm>> -> memref<640x128xf32, #tpu.memory_space<hbm>>
        %dma_wait3A_23 = arith.constant 0 : i32
        %dma_wait3A_24 = tpu.memref_slice %arg9[%mul3A_0, %dma_wait3A_23] : memref<10240x128xf32, #tpu.memory_space<vmem_shared>> -> memref<640x128xf32, #tpu.memory_space<vmem_shared>>
        tpu.wait_dma2 semaphore(%run_scoped3A : memref<!tpu.dma_semaphore, #tpu.memory_space<semaphore_mem>>) src(%dma_wait3A_24 : memref<640x128xf32, #tpu.memory_space<vmem_shared>>) dst(%dma_wait3A_22 : memref<640x128xf32, #tpu.memory_space<hbm>>)
        tpu.yield
      }) : () -> ()
    } else {
    }
    return
  }
}

#map = affine_map<(d0, d1) -> (0, 0)>
#map1 = affine_map<(d0, d1) -> (0, 0, 0, 0)>
module attributes {stable_mosaic.version = 14 : i64} {
  func.func @_agg_body(%arg0: i32, %arg1: i32, %arg2: memref<10000x128xf32, #tpu.memory_space<hbm>>, %arg3: memref<10000x128xf32, #tpu.memory_space<hbm>>, %arg4: memref<16x1x79x128xi32, #tpu.memory_space<hbm>>, %arg5: memref<16x1x79x128xi32, #tpu.memory_space<hbm>>, %arg6: memref<640x128xf32, #tpu.memory_space<hbm>>, %arg7: memref<10240x128xf32, #tpu.memory_space<hbm>>, %arg8: memref<10240x128xf32, #tpu.memory_space<hbm>>, %arg9: memref<10240x128xf32, #tpu.memory_space<vmem_shared>>, %arg10: memref<79x128xi32, #tpu.memory_space<vmem>>, %arg11: memref<79x128xi32, #tpu.memory_space<vmem>>, %arg12: memref<128x128xf32, #tpu.memory_space<vmem>>, %arg13: memref<!tpu.dma_semaphore, #tpu.memory_space<semaphore_mem>>) attributes {dimension_semantics = [#tpu.dimension_semantics<core_parallel>, #tpu.dimension_semantics<subcore_parallel>], iteration_bounds = array<i64: 2, 16>, scalar_prefetch = 0 : i64, scratch_operands = 5 : i64, tpu.core_type = #tpu.core_type<sc_vector_subcore>, window_params = [{transform_indices = #map}, {transform_indices = #map}, {transform_indices = #map1}, {transform_indices = #map1}, {transform_indices = #map}, {transform_indices = #map}, {transform_indices = #map}]} {
    %mul3A = arith.constant 640 : i32
    %mul3A_0 = arith.muli %arg1, %mul3A : i32
    "tpu.region"() ({
      %run_scoped3A = tpu.sem_alloc : memref<!tpu.dma_semaphore, #tpu.memory_space<semaphore_mem>>
      %dma_start3A = arith.constant 0 : i32
      %dma_start3A_19 = tpu.memref_slice %arg9[%mul3A_0, %dma_start3A] : memref<10240x128xf32, #tpu.memory_space<vmem_shared>> -> memref<640x128xf32, #tpu.memory_space<vmem_shared>>
      tpu.enqueue_dma source(%arg6 : memref<640x128xf32, #tpu.memory_space<hbm>>) target(%dma_start3A_19 : memref<640x128xf32, #tpu.memory_space<vmem_shared>>) target_semaphore(%run_scoped3A : memref<!tpu.dma_semaphore, #tpu.memory_space<semaphore_mem>>)
      %dma_wait3A = arith.constant 0 : i32
      %dma_wait3A_20 = tpu.memref_slice %arg9[%mul3A_0, %dma_wait3A] : memref<10240x128xf32, #tpu.memory_space<vmem_shared>> -> memref<640x128xf32, #tpu.memory_space<vmem_shared>>
      tpu.wait_dma2 semaphore(%run_scoped3A : memref<!tpu.dma_semaphore, #tpu.memory_space<semaphore_mem>>) src(%arg6 : memref<640x128xf32, #tpu.memory_space<hbm>>) dst(%dma_wait3A_20 : memref<640x128xf32, #tpu.memory_space<vmem_shared>>)
      tpu.yield
    }) : () -> ()
    %barrier3A = arith.constant 0 : index
    tpu.barrier barrier_id(%barrier3A)
    %eq3A = arith.constant 0 : i32
    %eq3A_1 = arith.cmpi eq, %arg0, %eq3A : i32
    %convert_element_type3A = arith.extui %eq3A_1 : i1 to i32
    %cond3A = arith.constant 0 : i32
    %cond3A_2 = arith.cmpi ne, %convert_element_type3A, %cond3A : i32
    scf.if %cond3A_2 {
      %run_scoped3A = arith.constant 0 : i32
      "tpu.region"() ({
        %run_scoped3A_25 = tpu.sem_alloc : memref<!tpu.dma_semaphore, #tpu.memory_space<semaphore_mem>>
        %dma_start3A = arith.constant 0 : i32
        %dma_start3A_26 = arith.constant 0 : i32
        %dma_start3A_27 = tpu.memref_slice %arg4[%arg1, %run_scoped3A, %dma_start3A, %dma_start3A_26] : memref<16x1x79x128xi32, #tpu.memory_space<hbm>> -> memref<1x1x79x128xi32, #tpu.memory_space<hbm>>
        %dma_start3A_28 = tpu.memref_squeeze %dma_start3A_27 : memref<1x1x79x128xi32, #tpu.memory_space<hbm>> -> memref<79x128xi32, #tpu.memory_space<hbm>>
        %dma_start3A_29 = arith.constant 0 : i32
        %dma_start3A_30 = arith.constant 0 : i32
        %dma_start3A_31 = tpu.memref_slice %arg4[%arg1, %run_scoped3A, %dma_start3A_29, %dma_start3A_30] : memref<16x1x79x128xi32, #tpu.memory_space<hbm>> -> memref<1x1x79x128xi32, #tpu.memory_space<hbm>>
        %dma_start3A_32 = tpu.memref_squeeze %dma_start3A_31 : memref<1x1x79x128xi32, #tpu.memory_space<hbm>> -> memref<79x128xi32, #tpu.memory_space<hbm>>
        tpu.enqueue_dma source(%dma_start3A_32 : memref<79x128xi32, #tpu.memory_space<hbm>>) target(%arg10 : memref<79x128xi32, #tpu.memory_space<vmem>>) target_semaphore(%run_scoped3A_25 : memref<!tpu.dma_semaphore, #tpu.memory_space<semaphore_mem>>)
        %dma_wait3A = arith.constant 0 : i32
        %dma_wait3A_33 = arith.constant 0 : i32
        %dma_wait3A_34 = tpu.memref_slice %arg4[%arg1, %run_scoped3A, %dma_wait3A, %dma_wait3A_33] : memref<16x1x79x128xi32, #tpu.memory_space<hbm>> -> memref<1x1x79x128xi32, #tpu.memory_space<hbm>>
        %dma_wait3A_35 = tpu.memref_squeeze %dma_wait3A_34 : memref<1x1x79x128xi32, #tpu.memory_space<hbm>> -> memref<79x128xi32, #tpu.memory_space<hbm>>
        %dma_wait3A_36 = arith.constant 0 : i32
        %dma_wait3A_37 = arith.constant 0 : i32
        %dma_wait3A_38 = tpu.memref_slice %arg4[%arg1, %run_scoped3A, %dma_wait3A_36, %dma_wait3A_37] : memref<16x1x79x128xi32, #tpu.memory_space<hbm>> -> memref<1x1x79x128xi32, #tpu.memory_space<hbm>>
        %dma_wait3A_39 = tpu.memref_squeeze %dma_wait3A_38 : memref<1x1x79x128xi32, #tpu.memory_space<hbm>> -> memref<79x128xi32, #tpu.memory_space<hbm>>
        tpu.wait_dma2 semaphore(%run_scoped3A_25 : memref<!tpu.dma_semaphore, #tpu.memory_space<semaphore_mem>>) src(%dma_wait3A_39 : memref<79x128xi32, #tpu.memory_space<hbm>>) dst(%arg10 : memref<79x128xi32, #tpu.memory_space<vmem>>)
        tpu.yield
      }) : () -> ()
      %run_scoped3A_19 = arith.constant 0 : i32
      "tpu.region"() ({
        %run_scoped3A_25 = tpu.sem_alloc : memref<!tpu.dma_semaphore, #tpu.memory_space<semaphore_mem>>
        %dma_start3A = arith.constant 0 : i32
        %dma_start3A_26 = arith.constant 0 : i32
        %dma_start3A_27 = tpu.memref_slice %arg5[%arg1, %run_scoped3A_19, %dma_start3A, %dma_start3A_26] : memref<16x1x79x128xi32, #tpu.memory_space<hbm>> -> memref<1x1x79x128xi32, #tpu.memory_space<hbm>>
        %dma_start3A_28 = tpu.memref_squeeze %dma_start3A_27 : memref<1x1x79x128xi32, #tpu.memory_space<hbm>> -> memref<79x128xi32, #tpu.memory_space<hbm>>
        %dma_start3A_29 = arith.constant 0 : i32
        %dma_start3A_30 = arith.constant 0 : i32
        %dma_start3A_31 = tpu.memref_slice %arg5[%arg1, %run_scoped3A_19, %dma_start3A_29, %dma_start3A_30] : memref<16x1x79x128xi32, #tpu.memory_space<hbm>> -> memref<1x1x79x128xi32, #tpu.memory_space<hbm>>
        %dma_start3A_32 = tpu.memref_squeeze %dma_start3A_31 : memref<1x1x79x128xi32, #tpu.memory_space<hbm>> -> memref<79x128xi32, #tpu.memory_space<hbm>>
        tpu.enqueue_dma source(%dma_start3A_32 : memref<79x128xi32, #tpu.memory_space<hbm>>) target(%arg11 : memref<79x128xi32, #tpu.memory_space<vmem>>) target_semaphore(%run_scoped3A_25 : memref<!tpu.dma_semaphore, #tpu.memory_space<semaphore_mem>>)
        %dma_wait3A = arith.constant 0 : i32
        %dma_wait3A_33 = arith.constant 0 : i32
        %dma_wait3A_34 = tpu.memref_slice %arg5[%arg1, %run_scoped3A_19, %dma_wait3A, %dma_wait3A_33] : memref<16x1x79x128xi32, #tpu.memory_space<hbm>> -> memref<1x1x79x128xi32, #tpu.memory_space<hbm>>
        %dma_wait3A_35 = tpu.memref_squeeze %dma_wait3A_34 : memref<1x1x79x128xi32, #tpu.memory_space<hbm>> -> memref<79x128xi32, #tpu.memory_space<hbm>>
        %dma_wait3A_36 = arith.constant 0 : i32
        %dma_wait3A_37 = arith.constant 0 : i32
        %dma_wait3A_38 = tpu.memref_slice %arg5[%arg1, %run_scoped3A_19, %dma_wait3A_36, %dma_wait3A_37] : memref<16x1x79x128xi32, #tpu.memory_space<hbm>> -> memref<1x1x79x128xi32, #tpu.memory_space<hbm>>
        %dma_wait3A_39 = tpu.memref_squeeze %dma_wait3A_38 : memref<1x1x79x128xi32, #tpu.memory_space<hbm>> -> memref<79x128xi32, #tpu.memory_space<hbm>>
        tpu.wait_dma2 semaphore(%run_scoped3A_25 : memref<!tpu.dma_semaphore, #tpu.memory_space<semaphore_mem>>) src(%dma_wait3A_39 : memref<79x128xi32, #tpu.memory_space<hbm>>) dst(%arg11 : memref<79x128xi32, #tpu.memory_space<vmem>>)
        tpu.yield
      }) : () -> ()
      %scan3A = arith.constant 0 : i32
      %scan3A_20 = arith.constant 0 : i32
      %scan3A_21 = arith.constant 79 : i32
      %scan3A_22 = arith.addi %scan3A_20, %scan3A_21 : i32
      %scan3A_23 = arith.constant 1 : i32
      scf.for %scan3A_25 = %scan3A_20 to %scan3A_22 step %scan3A_23  : i32 {
        %dma_start3A = arith.constant 0 : i32
        %dma_start3A_26 = tpu.memref_slice %arg10[%scan3A_25, %dma_start3A] : memref<79x128xi32, #tpu.memory_space<vmem>> -> memref<1x128xi32, #tpu.memory_space<vmem>>
        %dma_start3A_27 = tpu.memref_squeeze %dma_start3A_26 : memref<1x128xi32, #tpu.memory_space<vmem>> -> memref<128xi32, #tpu.memory_space<vmem>>
        %dma_start3A_28 = arith.constant 0 : i32
        %dma_start3A_29 = arith.constant 0 : i32
        %dma_start3A_30 = tpu.memref_slice %arg2[%dma_start3A_28, %dma_start3A_29] : memref<10000x128xf32, #tpu.memory_space<hbm>> -> memref<10000x128xf32, #tpu.memory_space<hbm>>
        tpu.enqueue_indirect_dma source(%dma_start3A_30 : memref<10000x128xf32, #tpu.memory_space<hbm>>) target(%arg12 : memref<128x128xf32, #tpu.memory_space<vmem>>) offsets(%dma_start3A_27 : memref<128xi32, #tpu.memory_space<vmem>>) semaphore(%arg13 : memref<!tpu.dma_semaphore, #tpu.memory_space<semaphore_mem>>)
        %dma_wait3A = arith.constant 0 : i32
        %dma_wait3A_31 = tpu.memref_slice %arg10[%scan3A_25, %dma_wait3A] : memref<79x128xi32, #tpu.memory_space<vmem>> -> memref<1x128xi32, #tpu.memory_space<vmem>>
        %dma_wait3A_32 = tpu.memref_squeeze %dma_wait3A_31 : memref<1x128xi32, #tpu.memory_space<vmem>> -> memref<128xi32, #tpu.memory_space<vmem>>
        %dma_wait3A_33 = arith.constant 0 : i32
        %dma_wait3A_34 = arith.constant 0 : i32
        %dma_wait3A_35 = tpu.memref_slice %arg2[%dma_wait3A_33, %dma_wait3A_34] : memref<10000x128xf32, #tpu.memory_space<hbm>> -> memref<10000x128xf32, #tpu.memory_space<hbm>>
        tpu.wait_indirect_dma semaphore(%arg13 : memref<!tpu.dma_semaphore, #tpu.memory_space<semaphore_mem>>) src(%dma_wait3A_35 : memref<10000x128xf32, #tpu.memory_space<hbm>>) dst(%arg12 : memref<128x128xf32, #tpu.memory_space<vmem>>)
        "tpu.region"() ({
          %run_scoped3A_36 = tpu.sem_alloc : memref<!tpu.dma_semaphore, #tpu.memory_space<semaphore_mem>>
          %dma_start3A_37 = arith.constant 0 : i32
          %dma_start3A_38 = tpu.memref_slice %arg11[%scan3A_25, %dma_start3A_37] : memref<79x128xi32, #tpu.memory_space<vmem>> -> memref<1x128xi32, #tpu.memory_space<vmem>>
          %dma_start3A_39 = tpu.memref_squeeze %dma_start3A_38 : memref<1x128xi32, #tpu.memory_space<vmem>> -> memref<128xi32, #tpu.memory_space<vmem>>
          %dma_start3A_40 = arith.constant 0 : i32
          %dma_start3A_41 = arith.constant 0 : i32
          %dma_start3A_42 = tpu.memref_slice %arg9[%dma_start3A_40, %dma_start3A_41] : memref<10240x128xf32, #tpu.memory_space<vmem_shared>> -> memref<10240x128xf32, #tpu.memory_space<vmem_shared>>
          tpu.enqueue_indirect_dma source(%arg12 : memref<128x128xf32, #tpu.memory_space<vmem>>) target(%dma_start3A_42 : memref<10240x128xf32, #tpu.memory_space<vmem_shared>>) offsets(%dma_start3A_39 : memref<128xi32, #tpu.memory_space<vmem>>) semaphore(%run_scoped3A_36 : memref<!tpu.dma_semaphore, #tpu.memory_space<semaphore_mem>>) {add = true}
          %dma_wait3A_43 = arith.constant 0 : i32
          %dma_wait3A_44 = tpu.memref_slice %arg11[%scan3A_25, %dma_wait3A_43] : memref<79x128xi32, #tpu.memory_space<vmem>> -> memref<1x128xi32, #tpu.memory_space<vmem>>
          %dma_wait3A_45 = tpu.memref_squeeze %dma_wait3A_44 : memref<1x128xi32, #tpu.memory_space<vmem>> -> memref<128xi32, #tpu.memory_space<vmem>>
          %dma_wait3A_46 = arith.constant 0 : i32
          %dma_wait3A_47 = arith.constant 0 : i32
          %dma_wait3A_48 = tpu.memref_slice %arg9[%dma_wait3A_46, %dma_wait3A_47] : memref<10240x128xf32, #tpu.memory_space<vmem_shared>> -> memref<10240x128xf32, #tpu.memory_space<vmem_shared>>
          tpu.wait_indirect_dma semaphore(%run_scoped3A_36 : memref<!tpu.dma_semaphore, #tpu.memory_space<semaphore_mem>>) src(%arg12 : memref<128x128xf32, #tpu.memory_space<vmem>>) dst(%dma_wait3A_48 : memref<10240x128xf32, #tpu.memory_space<vmem_shared>>)
          tpu.yield
        }) : () -> ()
      }
      %scan3A_24 = arith.constant 79 : i32
    } else {
    }
    %eq3A_3 = arith.constant 1 : i32
    %eq3A_4 = arith.cmpi eq, %arg0, %eq3A_3 : i32
    %convert_element_type3A_5 = arith.extui %eq3A_4 : i1 to i32
    %cond3A_6 = arith.constant 0 : i32
    %cond3A_7 = arith.cmpi ne, %convert_element_type3A_5, %cond3A_6 : i32
    scf.if %cond3A_7 {
      %run_scoped3A = arith.constant 0 : i32
      "tpu.region"() ({
        %run_scoped3A_25 = tpu.sem_alloc : memref<!tpu.dma_semaphore, #tpu.memory_space<semaphore_mem>>
        %dma_start3A = arith.constant 0 : i32
        %dma_start3A_26 = arith.constant 0 : i32
        %dma_start3A_27 = tpu.memref_slice %arg4[%arg1, %run_scoped3A, %dma_start3A, %dma_start3A_26] : memref<16x1x79x128xi32, #tpu.memory_space<hbm>> -> memref<1x1x79x128xi32, #tpu.memory_space<hbm>>
        %dma_start3A_28 = tpu.memref_squeeze %dma_start3A_27 : memref<1x1x79x128xi32, #tpu.memory_space<hbm>> -> memref<79x128xi32, #tpu.memory_space<hbm>>
        %dma_start3A_29 = arith.constant 0 : i32
        %dma_start3A_30 = arith.constant 0 : i32
        %dma_start3A_31 = tpu.memref_slice %arg4[%arg1, %run_scoped3A, %dma_start3A_29, %dma_start3A_30] : memref<16x1x79x128xi32, #tpu.memory_space<hbm>> -> memref<1x1x79x128xi32, #tpu.memory_space<hbm>>
        %dma_start3A_32 = tpu.memref_squeeze %dma_start3A_31 : memref<1x1x79x128xi32, #tpu.memory_space<hbm>> -> memref<79x128xi32, #tpu.memory_space<hbm>>
        tpu.enqueue_dma source(%dma_start3A_32 : memref<79x128xi32, #tpu.memory_space<hbm>>) target(%arg10 : memref<79x128xi32, #tpu.memory_space<vmem>>) target_semaphore(%run_scoped3A_25 : memref<!tpu.dma_semaphore, #tpu.memory_space<semaphore_mem>>)
        %dma_wait3A = arith.constant 0 : i32
        %dma_wait3A_33 = arith.constant 0 : i32
        %dma_wait3A_34 = tpu.memref_slice %arg4[%arg1, %run_scoped3A, %dma_wait3A, %dma_wait3A_33] : memref<16x1x79x128xi32, #tpu.memory_space<hbm>> -> memref<1x1x79x128xi32, #tpu.memory_space<hbm>>
        %dma_wait3A_35 = tpu.memref_squeeze %dma_wait3A_34 : memref<1x1x79x128xi32, #tpu.memory_space<hbm>> -> memref<79x128xi32, #tpu.memory_space<hbm>>
        %dma_wait3A_36 = arith.constant 0 : i32
        %dma_wait3A_37 = arith.constant 0 : i32
        %dma_wait3A_38 = tpu.memref_slice %arg4[%arg1, %run_scoped3A, %dma_wait3A_36, %dma_wait3A_37] : memref<16x1x79x128xi32, #tpu.memory_space<hbm>> -> memref<1x1x79x128xi32, #tpu.memory_space<hbm>>
        %dma_wait3A_39 = tpu.memref_squeeze %dma_wait3A_38 : memref<1x1x79x128xi32, #tpu.memory_space<hbm>> -> memref<79x128xi32, #tpu.memory_space<hbm>>
        tpu.wait_dma2 semaphore(%run_scoped3A_25 : memref<!tpu.dma_semaphore, #tpu.memory_space<semaphore_mem>>) src(%dma_wait3A_39 : memref<79x128xi32, #tpu.memory_space<hbm>>) dst(%arg10 : memref<79x128xi32, #tpu.memory_space<vmem>>)
        tpu.yield
      }) : () -> ()
      %run_scoped3A_19 = arith.constant 0 : i32
      "tpu.region"() ({
        %run_scoped3A_25 = tpu.sem_alloc : memref<!tpu.dma_semaphore, #tpu.memory_space<semaphore_mem>>
        %dma_start3A = arith.constant 0 : i32
        %dma_start3A_26 = arith.constant 0 : i32
        %dma_start3A_27 = tpu.memref_slice %arg5[%arg1, %run_scoped3A_19, %dma_start3A, %dma_start3A_26] : memref<16x1x79x128xi32, #tpu.memory_space<hbm>> -> memref<1x1x79x128xi32, #tpu.memory_space<hbm>>
        %dma_start3A_28 = tpu.memref_squeeze %dma_start3A_27 : memref<1x1x79x128xi32, #tpu.memory_space<hbm>> -> memref<79x128xi32, #tpu.memory_space<hbm>>
        %dma_start3A_29 = arith.constant 0 : i32
        %dma_start3A_30 = arith.constant 0 : i32
        %dma_start3A_31 = tpu.memref_slice %arg5[%arg1, %run_scoped3A_19, %dma_start3A_29, %dma_start3A_30] : memref<16x1x79x128xi32, #tpu.memory_space<hbm>> -> memref<1x1x79x128xi32, #tpu.memory_space<hbm>>
        %dma_start3A_32 = tpu.memref_squeeze %dma_start3A_31 : memref<1x1x79x128xi32, #tpu.memory_space<hbm>> -> memref<79x128xi32, #tpu.memory_space<hbm>>
        tpu.enqueue_dma source(%dma_start3A_32 : memref<79x128xi32, #tpu.memory_space<hbm>>) target(%arg11 : memref<79x128xi32, #tpu.memory_space<vmem>>) target_semaphore(%run_scoped3A_25 : memref<!tpu.dma_semaphore, #tpu.memory_space<semaphore_mem>>)
        %dma_wait3A = arith.constant 0 : i32
        %dma_wait3A_33 = arith.constant 0 : i32
        %dma_wait3A_34 = tpu.memref_slice %arg5[%arg1, %run_scoped3A_19, %dma_wait3A, %dma_wait3A_33] : memref<16x1x79x128xi32, #tpu.memory_space<hbm>> -> memref<1x1x79x128xi32, #tpu.memory_space<hbm>>
        %dma_wait3A_35 = tpu.memref_squeeze %dma_wait3A_34 : memref<1x1x79x128xi32, #tpu.memory_space<hbm>> -> memref<79x128xi32, #tpu.memory_space<hbm>>
        %dma_wait3A_36 = arith.constant 0 : i32
        %dma_wait3A_37 = arith.constant 0 : i32
        %dma_wait3A_38 = tpu.memref_slice %arg5[%arg1, %run_scoped3A_19, %dma_wait3A_36, %dma_wait3A_37] : memref<16x1x79x128xi32, #tpu.memory_space<hbm>> -> memref<1x1x79x128xi32, #tpu.memory_space<hbm>>
        %dma_wait3A_39 = tpu.memref_squeeze %dma_wait3A_38 : memref<1x1x79x128xi32, #tpu.memory_space<hbm>> -> memref<79x128xi32, #tpu.memory_space<hbm>>
        tpu.wait_dma2 semaphore(%run_scoped3A_25 : memref<!tpu.dma_semaphore, #tpu.memory_space<semaphore_mem>>) src(%dma_wait3A_39 : memref<79x128xi32, #tpu.memory_space<hbm>>) dst(%arg11 : memref<79x128xi32, #tpu.memory_space<vmem>>)
        tpu.yield
      }) : () -> ()
      %scan3A = arith.constant 0 : i32
      %scan3A_20 = arith.constant 0 : i32
      %scan3A_21 = arith.constant 79 : i32
      %scan3A_22 = arith.addi %scan3A_20, %scan3A_21 : i32
      %scan3A_23 = arith.constant 1 : i32
      scf.for %scan3A_25 = %scan3A_20 to %scan3A_22 step %scan3A_23  : i32 {
        %dma_start3A = arith.constant 0 : i32
        %dma_start3A_26 = tpu.memref_slice %arg10[%scan3A_25, %dma_start3A] : memref<79x128xi32, #tpu.memory_space<vmem>> -> memref<1x128xi32, #tpu.memory_space<vmem>>
        %dma_start3A_27 = tpu.memref_squeeze %dma_start3A_26 : memref<1x128xi32, #tpu.memory_space<vmem>> -> memref<128xi32, #tpu.memory_space<vmem>>
        %dma_start3A_28 = arith.constant 0 : i32
        %dma_start3A_29 = arith.constant 0 : i32
        %dma_start3A_30 = tpu.memref_slice %arg3[%dma_start3A_28, %dma_start3A_29] : memref<10000x128xf32, #tpu.memory_space<hbm>> -> memref<10000x128xf32, #tpu.memory_space<hbm>>
        tpu.enqueue_indirect_dma source(%dma_start3A_30 : memref<10000x128xf32, #tpu.memory_space<hbm>>) target(%arg12 : memref<128x128xf32, #tpu.memory_space<vmem>>) offsets(%dma_start3A_27 : memref<128xi32, #tpu.memory_space<vmem>>) semaphore(%arg13 : memref<!tpu.dma_semaphore, #tpu.memory_space<semaphore_mem>>)
        %dma_wait3A = arith.constant 0 : i32
        %dma_wait3A_31 = tpu.memref_slice %arg10[%scan3A_25, %dma_wait3A] : memref<79x128xi32, #tpu.memory_space<vmem>> -> memref<1x128xi32, #tpu.memory_space<vmem>>
        %dma_wait3A_32 = tpu.memref_squeeze %dma_wait3A_31 : memref<1x128xi32, #tpu.memory_space<vmem>> -> memref<128xi32, #tpu.memory_space<vmem>>
        %dma_wait3A_33 = arith.constant 0 : i32
        %dma_wait3A_34 = arith.constant 0 : i32
        %dma_wait3A_35 = tpu.memref_slice %arg3[%dma_wait3A_33, %dma_wait3A_34] : memref<10000x128xf32, #tpu.memory_space<hbm>> -> memref<10000x128xf32, #tpu.memory_space<hbm>>
        tpu.wait_indirect_dma semaphore(%arg13 : memref<!tpu.dma_semaphore, #tpu.memory_space<semaphore_mem>>) src(%dma_wait3A_35 : memref<10000x128xf32, #tpu.memory_space<hbm>>) dst(%arg12 : memref<128x128xf32, #tpu.memory_space<vmem>>)
        "tpu.region"() ({
          %run_scoped3A_36 = tpu.sem_alloc : memref<!tpu.dma_semaphore, #tpu.memory_space<semaphore_mem>>
          %dma_start3A_37 = arith.constant 0 : i32
          %dma_start3A_38 = tpu.memref_slice %arg11[%scan3A_25, %dma_start3A_37] : memref<79x128xi32, #tpu.memory_space<vmem>> -> memref<1x128xi32, #tpu.memory_space<vmem>>
          %dma_start3A_39 = tpu.memref_squeeze %dma_start3A_38 : memref<1x128xi32, #tpu.memory_space<vmem>> -> memref<128xi32, #tpu.memory_space<vmem>>
          %dma_start3A_40 = arith.constant 0 : i32
          %dma_start3A_41 = arith.constant 0 : i32
          %dma_start3A_42 = tpu.memref_slice %arg9[%dma_start3A_40, %dma_start3A_41] : memref<10240x128xf32, #tpu.memory_space<vmem_shared>> -> memref<10240x128xf32, #tpu.memory_space<vmem_shared>>
          tpu.enqueue_indirect_dma source(%arg12 : memref<128x128xf32, #tpu.memory_space<vmem>>) target(%dma_start3A_42 : memref<10240x128xf32, #tpu.memory_space<vmem_shared>>) offsets(%dma_start3A_39 : memref<128xi32, #tpu.memory_space<vmem>>) semaphore(%run_scoped3A_36 : memref<!tpu.dma_semaphore, #tpu.memory_space<semaphore_mem>>) {add = true}
          %dma_wait3A_43 = arith.constant 0 : i32
          %dma_wait3A_44 = tpu.memref_slice %arg11[%scan3A_25, %dma_wait3A_43] : memref<79x128xi32, #tpu.memory_space<vmem>> -> memref<1x128xi32, #tpu.memory_space<vmem>>
          %dma_wait3A_45 = tpu.memref_squeeze %dma_wait3A_44 : memref<1x128xi32, #tpu.memory_space<vmem>> -> memref<128xi32, #tpu.memory_space<vmem>>
          %dma_wait3A_46 = arith.constant 0 : i32
          %dma_wait3A_47 = arith.constant 0 : i32
          %dma_wait3A_48 = tpu.memref_slice %arg9[%dma_wait3A_46, %dma_wait3A_47] : memref<10240x128xf32, #tpu.memory_space<vmem_shared>> -> memref<10240x128xf32, #tpu.memory_space<vmem_shared>>
          tpu.wait_indirect_dma semaphore(%run_scoped3A_36 : memref<!tpu.dma_semaphore, #tpu.memory_space<semaphore_mem>>) src(%arg12 : memref<128x128xf32, #tpu.memory_space<vmem>>) dst(%dma_wait3A_48 : memref<10240x128xf32, #tpu.memory_space<vmem_shared>>)
          tpu.yield
        }) : () -> ()
      }
      %scan3A_24 = arith.constant 79 : i32
    } else {
    }
    %barrier3A_8 = arith.constant 0 : index
    tpu.barrier barrier_id(%barrier3A_8)
    %eq3A_9 = arith.constant 0 : i32
    %eq3A_10 = arith.cmpi eq, %arg0, %eq3A_9 : i32
    %convert_element_type3A_11 = arith.extui %eq3A_10 : i1 to i32
    %cond3A_12 = arith.constant 0 : i32
    %cond3A_13 = arith.cmpi ne, %convert_element_type3A_11, %cond3A_12 : i32
    scf.if %cond3A_13 {
      "tpu.region"() ({
        %run_scoped3A = tpu.sem_alloc : memref<!tpu.dma_semaphore, #tpu.memory_space<semaphore_mem>>
        %dma_start3A = arith.constant 0 : i32
        %dma_start3A_19 = tpu.memref_slice %arg7[%mul3A_0, %dma_start3A] : memref<10240x128xf32, #tpu.memory_space<hbm>> -> memref<640x128xf32, #tpu.memory_space<hbm>>
        %dma_start3A_20 = arith.constant 0 : i32
        %dma_start3A_21 = tpu.memref_slice %arg9[%mul3A_0, %dma_start3A_20] : memref<10240x128xf32, #tpu.memory_space<vmem_shared>> -> memref<640x128xf32, #tpu.memory_space<vmem_shared>>
        tpu.enqueue_dma source(%dma_start3A_21 : memref<640x128xf32, #tpu.memory_space<vmem_shared>>) target(%dma_start3A_19 : memref<640x128xf32, #tpu.memory_space<hbm>>) target_semaphore(%run_scoped3A : memref<!tpu.dma_semaphore, #tpu.memory_space<semaphore_mem>>)
        %dma_wait3A = arith.constant 0 : i32
        %dma_wait3A_22 = tpu.memref_slice %arg7[%mul3A_0, %dma_wait3A] : memref<10240x128xf32, #tpu.memory_space<hbm>> -> memref<640x128xf32, #tpu.memory_space<hbm>>
        %dma_wait3A_23 = arith.constant 0 : i32
        %dma_wait3A_24 = tpu.memref_slice %arg9[%mul3A_0, %dma_wait3A_23] : memref<10240x128xf32, #tpu.memory_space<vmem_shared>> -> memref<640x128xf32, #tpu.memory_space<vmem_shared>>
        tpu.wait_dma2 semaphore(%run_scoped3A : memref<!tpu.dma_semaphore, #tpu.memory_space<semaphore_mem>>) src(%dma_wait3A_24 : memref<640x128xf32, #tpu.memory_space<vmem_shared>>) dst(%dma_wait3A_22 : memref<640x128xf32, #tpu.memory_space<hbm>>)
        tpu.yield
      }) : () -> ()
    } else {
    }
    %eq3A_14 = arith.constant 1 : i32
    %eq3A_15 = arith.cmpi eq, %arg0, %eq3A_14 : i32
    %convert_element_type3A_16 = arith.extui %eq3A_15 : i1 to i32
    %cond3A_17 = arith.constant 0 : i32
    %cond3A_18 = arith.cmpi ne, %convert_element_type3A_16, %cond3A_17 : i32
    scf.if %cond3A_18 {
      "tpu.region"() ({
        %run_scoped3A = tpu.sem_alloc : memref<!tpu.dma_semaphore, #tpu.memory_space<semaphore_mem>>
        %dma_start3A = arith.constant 0 : i32
        %dma_start3A_19 = tpu.memref_slice %arg8[%mul3A_0, %dma_start3A] : memref<10240x128xf32, #tpu.memory_space<hbm>> -> memref<640x128xf32, #tpu.memory_space<hbm>>
        %dma_start3A_20 = arith.constant 0 : i32
        %dma_start3A_21 = tpu.memref_slice %arg9[%mul3A_0, %dma_start3A_20] : memref<10240x128xf32, #tpu.memory_space<vmem_shared>> -> memref<640x128xf32, #tpu.memory_space<vmem_shared>>
        tpu.enqueue_dma source(%dma_start3A_21 : memref<640x128xf32, #tpu.memory_space<vmem_shared>>) target(%dma_start3A_19 : memref<640x128xf32, #tpu.memory_space<hbm>>) target_semaphore(%run_scoped3A : memref<!tpu.dma_semaphore, #tpu.memory_space<semaphore_mem>>)
        %dma_wait3A = arith.constant 0 : i32
        %dma_wait3A_22 = tpu.memref_slice %arg8[%mul3A_0, %dma_wait3A] : memref<10240x128xf32, #tpu.memory_space<hbm>> -> memref<640x128xf32, #tpu.memory_space<hbm>>
        %dma_wait3A_23 = arith.constant 0 : i32
        %dma_wait3A_24 = tpu.memref_slice %arg9[%mul3A_0, %dma_wait3A_23] : memref<10240x128xf32, #tpu.memory_space<vmem_shared>> -> memref<640x128xf32, #tpu.memory_space<vmem_shared>>
        tpu.wait_dma2 semaphore(%run_scoped3A : memref<!tpu.dma_semaphore, #tpu.memory_space<semaphore_mem>>) src(%dma_wait3A_24 : memref<640x128xf32, #tpu.memory_space<vmem_shared>>) dst(%dma_wait3A_22 : memref<640x128xf32, #tpu.memory_space<hbm>>)
        tpu.yield
      }) : () -> ()
    } else {
    }
    return
  }
}

#map = affine_map<(d0, d1) -> (0, 0)>
#map1 = affine_map<(d0, d1) -> (0, 0, 0, 0)>
module attributes {stable_mosaic.version = 14 : i64} {
  func.func @_agg_body(%arg0: i32, %arg1: i32, %arg2: memref<10000x128xf32, #tpu.memory_space<hbm>>, %arg3: memref<10000x128xf32, #tpu.memory_space<hbm>>, %arg4: memref<16x1x79x128xi32, #tpu.memory_space<hbm>>, %arg5: memref<16x1x79x128xi32, #tpu.memory_space<hbm>>, %arg6: memref<640x128xf32, #tpu.memory_space<hbm>>, %arg7: memref<10240x128xf32, #tpu.memory_space<hbm>>, %arg8: memref<10240x128xf32, #tpu.memory_space<hbm>>, %arg9: memref<10240x128xf32, #tpu.memory_space<vmem_shared>>, %arg10: memref<79x128xi32, #tpu.memory_space<vmem>>, %arg11: memref<79x128xi32, #tpu.memory_space<vmem>>, %arg12: memref<128x128xf32, #tpu.memory_space<vmem>>, %arg13: memref<!tpu.dma_semaphore, #tpu.memory_space<semaphore_mem>>) attributes {dimension_semantics = [#tpu.dimension_semantics<core_parallel>, #tpu.dimension_semantics<subcore_parallel>], iteration_bounds = array<i64: 2, 16>, scalar_prefetch = 0 : i64, scratch_operands = 5 : i64, tpu.core_type = #tpu.core_type<sc_vector_subcore>, window_params = [{transform_indices = #map}, {transform_indices = #map}, {transform_indices = #map1}, {transform_indices = #map1}, {transform_indices = #map}, {transform_indices = #map}, {transform_indices = #map}]} {
    %mul3A = arith.constant 640 : i32
    %mul3A_0 = arith.muli %arg1, %mul3A : i32
    "tpu.region"() ({
      %run_scoped3A = tpu.sem_alloc : memref<!tpu.dma_semaphore, #tpu.memory_space<semaphore_mem>>
      %dma_start3A = arith.constant 0 : i32
      %dma_start3A_19 = tpu.memref_slice %arg9[%mul3A_0, %dma_start3A] : memref<10240x128xf32, #tpu.memory_space<vmem_shared>> -> memref<640x128xf32, #tpu.memory_space<vmem_shared>>
      tpu.enqueue_dma source(%arg6 : memref<640x128xf32, #tpu.memory_space<hbm>>) target(%dma_start3A_19 : memref<640x128xf32, #tpu.memory_space<vmem_shared>>) target_semaphore(%run_scoped3A : memref<!tpu.dma_semaphore, #tpu.memory_space<semaphore_mem>>)
      %dma_wait3A = arith.constant 0 : i32
      %dma_wait3A_20 = tpu.memref_slice %arg9[%mul3A_0, %dma_wait3A] : memref<10240x128xf32, #tpu.memory_space<vmem_shared>> -> memref<640x128xf32, #tpu.memory_space<vmem_shared>>
      tpu.wait_dma2 semaphore(%run_scoped3A : memref<!tpu.dma_semaphore, #tpu.memory_space<semaphore_mem>>) src(%arg6 : memref<640x128xf32, #tpu.memory_space<hbm>>) dst(%dma_wait3A_20 : memref<640x128xf32, #tpu.memory_space<vmem_shared>>)
      tpu.yield
    }) : () -> ()
    %barrier3A = arith.constant 0 : index
    tpu.barrier barrier_id(%barrier3A)
    %eq3A = arith.constant 0 : i32
    %eq3A_1 = arith.cmpi eq, %arg0, %eq3A : i32
    %convert_element_type3A = arith.extui %eq3A_1 : i1 to i32
    %cond3A = arith.constant 0 : i32
    %cond3A_2 = arith.cmpi ne, %convert_element_type3A, %cond3A : i32
    scf.if %cond3A_2 {
      %run_scoped3A = arith.constant 0 : i32
      "tpu.region"() ({
        %run_scoped3A_25 = tpu.sem_alloc : memref<!tpu.dma_semaphore, #tpu.memory_space<semaphore_mem>>
        %dma_start3A = arith.constant 0 : i32
        %dma_start3A_26 = arith.constant 0 : i32
        %dma_start3A_27 = tpu.memref_slice %arg4[%arg1, %run_scoped3A, %dma_start3A, %dma_start3A_26] : memref<16x1x79x128xi32, #tpu.memory_space<hbm>> -> memref<1x1x79x128xi32, #tpu.memory_space<hbm>>
        %dma_start3A_28 = tpu.memref_squeeze %dma_start3A_27 : memref<1x1x79x128xi32, #tpu.memory_space<hbm>> -> memref<79x128xi32, #tpu.memory_space<hbm>>
        %dma_start3A_29 = arith.constant 0 : i32
        %dma_start3A_30 = arith.constant 0 : i32
        %dma_start3A_31 = tpu.memref_slice %arg4[%arg1, %run_scoped3A, %dma_start3A_29, %dma_start3A_30] : memref<16x1x79x128xi32, #tpu.memory_space<hbm>> -> memref<1x1x79x128xi32, #tpu.memory_space<hbm>>
        %dma_start3A_32 = tpu.memref_squeeze %dma_start3A_31 : memref<1x1x79x128xi32, #tpu.memory_space<hbm>> -> memref<79x128xi32, #tpu.memory_space<hbm>>
        tpu.enqueue_dma source(%dma_start3A_32 : memref<79x128xi32, #tpu.memory_space<hbm>>) target(%arg10 : memref<79x128xi32, #tpu.memory_space<vmem>>) target_semaphore(%run_scoped3A_25 : memref<!tpu.dma_semaphore, #tpu.memory_space<semaphore_mem>>)
        %dma_wait3A = arith.constant 0 : i32
        %dma_wait3A_33 = arith.constant 0 : i32
        %dma_wait3A_34 = tpu.memref_slice %arg4[%arg1, %run_scoped3A, %dma_wait3A, %dma_wait3A_33] : memref<16x1x79x128xi32, #tpu.memory_space<hbm>> -> memref<1x1x79x128xi32, #tpu.memory_space<hbm>>
        %dma_wait3A_35 = tpu.memref_squeeze %dma_wait3A_34 : memref<1x1x79x128xi32, #tpu.memory_space<hbm>> -> memref<79x128xi32, #tpu.memory_space<hbm>>
        %dma_wait3A_36 = arith.constant 0 : i32
        %dma_wait3A_37 = arith.constant 0 : i32
        %dma_wait3A_38 = tpu.memref_slice %arg4[%arg1, %run_scoped3A, %dma_wait3A_36, %dma_wait3A_37] : memref<16x1x79x128xi32, #tpu.memory_space<hbm>> -> memref<1x1x79x128xi32, #tpu.memory_space<hbm>>
        %dma_wait3A_39 = tpu.memref_squeeze %dma_wait3A_38 : memref<1x1x79x128xi32, #tpu.memory_space<hbm>> -> memref<79x128xi32, #tpu.memory_space<hbm>>
        tpu.wait_dma2 semaphore(%run_scoped3A_25 : memref<!tpu.dma_semaphore, #tpu.memory_space<semaphore_mem>>) src(%dma_wait3A_39 : memref<79x128xi32, #tpu.memory_space<hbm>>) dst(%arg10 : memref<79x128xi32, #tpu.memory_space<vmem>>)
        tpu.yield
      }) : () -> ()
      %run_scoped3A_19 = arith.constant 0 : i32
      "tpu.region"() ({
        %run_scoped3A_25 = tpu.sem_alloc : memref<!tpu.dma_semaphore, #tpu.memory_space<semaphore_mem>>
        %dma_start3A = arith.constant 0 : i32
        %dma_start3A_26 = arith.constant 0 : i32
        %dma_start3A_27 = tpu.memref_slice %arg5[%arg1, %run_scoped3A_19, %dma_start3A, %dma_start3A_26] : memref<16x1x79x128xi32, #tpu.memory_space<hbm>> -> memref<1x1x79x128xi32, #tpu.memory_space<hbm>>
        %dma_start3A_28 = tpu.memref_squeeze %dma_start3A_27 : memref<1x1x79x128xi32, #tpu.memory_space<hbm>> -> memref<79x128xi32, #tpu.memory_space<hbm>>
        %dma_start3A_29 = arith.constant 0 : i32
        %dma_start3A_30 = arith.constant 0 : i32
        %dma_start3A_31 = tpu.memref_slice %arg5[%arg1, %run_scoped3A_19, %dma_start3A_29, %dma_start3A_30] : memref<16x1x79x128xi32, #tpu.memory_space<hbm>> -> memref<1x1x79x128xi32, #tpu.memory_space<hbm>>
        %dma_start3A_32 = tpu.memref_squeeze %dma_start3A_31 : memref<1x1x79x128xi32, #tpu.memory_space<hbm>> -> memref<79x128xi32, #tpu.memory_space<hbm>>
        tpu.enqueue_dma source(%dma_start3A_32 : memref<79x128xi32, #tpu.memory_space<hbm>>) target(%arg11 : memref<79x128xi32, #tpu.memory_space<vmem>>) target_semaphore(%run_scoped3A_25 : memref<!tpu.dma_semaphore, #tpu.memory_space<semaphore_mem>>)
        %dma_wait3A = arith.constant 0 : i32
        %dma_wait3A_33 = arith.constant 0 : i32
        %dma_wait3A_34 = tpu.memref_slice %arg5[%arg1, %run_scoped3A_19, %dma_wait3A, %dma_wait3A_33] : memref<16x1x79x128xi32, #tpu.memory_space<hbm>> -> memref<1x1x79x128xi32, #tpu.memory_space<hbm>>
        %dma_wait3A_35 = tpu.memref_squeeze %dma_wait3A_34 : memref<1x1x79x128xi32, #tpu.memory_space<hbm>> -> memref<79x128xi32, #tpu.memory_space<hbm>>
        %dma_wait3A_36 = arith.constant 0 : i32
        %dma_wait3A_37 = arith.constant 0 : i32
        %dma_wait3A_38 = tpu.memref_slice %arg5[%arg1, %run_scoped3A_19, %dma_wait3A_36, %dma_wait3A_37] : memref<16x1x79x128xi32, #tpu.memory_space<hbm>> -> memref<1x1x79x128xi32, #tpu.memory_space<hbm>>
        %dma_wait3A_39 = tpu.memref_squeeze %dma_wait3A_38 : memref<1x1x79x128xi32, #tpu.memory_space<hbm>> -> memref<79x128xi32, #tpu.memory_space<hbm>>
        tpu.wait_dma2 semaphore(%run_scoped3A_25 : memref<!tpu.dma_semaphore, #tpu.memory_space<semaphore_mem>>) src(%dma_wait3A_39 : memref<79x128xi32, #tpu.memory_space<hbm>>) dst(%arg11 : memref<79x128xi32, #tpu.memory_space<vmem>>)
        tpu.yield
      }) : () -> ()
      %scan3A = arith.constant 0 : i32
      %scan3A_20 = arith.constant 0 : i32
      %scan3A_21 = arith.constant 79 : i32
      %scan3A_22 = arith.addi %scan3A_20, %scan3A_21 : i32
      %scan3A_23 = arith.constant 1 : i32
      scf.for %scan3A_25 = %scan3A_20 to %scan3A_22 step %scan3A_23  : i32 {
        %dma_start3A = arith.constant 0 : i32
        %dma_start3A_26 = tpu.memref_slice %arg10[%scan3A_25, %dma_start3A] : memref<79x128xi32, #tpu.memory_space<vmem>> -> memref<1x128xi32, #tpu.memory_space<vmem>>
        %dma_start3A_27 = tpu.memref_squeeze %dma_start3A_26 : memref<1x128xi32, #tpu.memory_space<vmem>> -> memref<128xi32, #tpu.memory_space<vmem>>
        %dma_start3A_28 = arith.constant 0 : i32
        %dma_start3A_29 = arith.constant 0 : i32
        %dma_start3A_30 = tpu.memref_slice %arg2[%dma_start3A_28, %dma_start3A_29] : memref<10000x128xf32, #tpu.memory_space<hbm>> -> memref<10000x128xf32, #tpu.memory_space<hbm>>
        tpu.enqueue_indirect_dma source(%dma_start3A_30 : memref<10000x128xf32, #tpu.memory_space<hbm>>) target(%arg12 : memref<128x128xf32, #tpu.memory_space<vmem>>) offsets(%dma_start3A_27 : memref<128xi32, #tpu.memory_space<vmem>>) semaphore(%arg13 : memref<!tpu.dma_semaphore, #tpu.memory_space<semaphore_mem>>)
        %dma_wait3A = arith.constant 0 : i32
        %dma_wait3A_31 = tpu.memref_slice %arg10[%scan3A_25, %dma_wait3A] : memref<79x128xi32, #tpu.memory_space<vmem>> -> memref<1x128xi32, #tpu.memory_space<vmem>>
        %dma_wait3A_32 = tpu.memref_squeeze %dma_wait3A_31 : memref<1x128xi32, #tpu.memory_space<vmem>> -> memref<128xi32, #tpu.memory_space<vmem>>
        %dma_wait3A_33 = arith.constant 0 : i32
        %dma_wait3A_34 = arith.constant 0 : i32
        %dma_wait3A_35 = tpu.memref_slice %arg2[%dma_wait3A_33, %dma_wait3A_34] : memref<10000x128xf32, #tpu.memory_space<hbm>> -> memref<10000x128xf32, #tpu.memory_space<hbm>>
        tpu.wait_indirect_dma semaphore(%arg13 : memref<!tpu.dma_semaphore, #tpu.memory_space<semaphore_mem>>) src(%dma_wait3A_35 : memref<10000x128xf32, #tpu.memory_space<hbm>>) dst(%arg12 : memref<128x128xf32, #tpu.memory_space<vmem>>)
        "tpu.region"() ({
          %run_scoped3A_36 = tpu.sem_alloc : memref<!tpu.dma_semaphore, #tpu.memory_space<semaphore_mem>>
          %dma_start3A_37 = arith.constant 0 : i32
          %dma_start3A_38 = tpu.memref_slice %arg11[%scan3A_25, %dma_start3A_37] : memref<79x128xi32, #tpu.memory_space<vmem>> -> memref<1x128xi32, #tpu.memory_space<vmem>>
          %dma_start3A_39 = tpu.memref_squeeze %dma_start3A_38 : memref<1x128xi32, #tpu.memory_space<vmem>> -> memref<128xi32, #tpu.memory_space<vmem>>
          %dma_start3A_40 = arith.constant 0 : i32
          %dma_start3A_41 = arith.constant 0 : i32
          %dma_start3A_42 = tpu.memref_slice %arg9[%dma_start3A_40, %dma_start3A_41] : memref<10240x128xf32, #tpu.memory_space<vmem_shared>> -> memref<10240x128xf32, #tpu.memory_space<vmem_shared>>
          tpu.enqueue_indirect_dma source(%arg12 : memref<128x128xf32, #tpu.memory_space<vmem>>) target(%dma_start3A_42 : memref<10240x128xf32, #tpu.memory_space<vmem_shared>>) offsets(%dma_start3A_39 : memref<128xi32, #tpu.memory_space<vmem>>) semaphore(%run_scoped3A_36 : memref<!tpu.dma_semaphore, #tpu.memory_space<semaphore_mem>>) {add = true}
          %dma_wait3A_43 = arith.constant 0 : i32
          %dma_wait3A_44 = tpu.memref_slice %arg11[%scan3A_25, %dma_wait3A_43] : memref<79x128xi32, #tpu.memory_space<vmem>> -> memref<1x128xi32, #tpu.memory_space<vmem>>
          %dma_wait3A_45 = tpu.memref_squeeze %dma_wait3A_44 : memref<1x128xi32, #tpu.memory_space<vmem>> -> memref<128xi32, #tpu.memory_space<vmem>>
          %dma_wait3A_46 = arith.constant 0 : i32
          %dma_wait3A_47 = arith.constant 0 : i32
          %dma_wait3A_48 = tpu.memref_slice %arg9[%dma_wait3A_46, %dma_wait3A_47] : memref<10240x128xf32, #tpu.memory_space<vmem_shared>> -> memref<10240x128xf32, #tpu.memory_space<vmem_shared>>
          tpu.wait_indirect_dma semaphore(%run_scoped3A_36 : memref<!tpu.dma_semaphore, #tpu.memory_space<semaphore_mem>>) src(%arg12 : memref<128x128xf32, #tpu.memory_space<vmem>>) dst(%dma_wait3A_48 : memref<10240x128xf32, #tpu.memory_space<vmem_shared>>)
          tpu.yield
        }) : () -> ()
      }
      %scan3A_24 = arith.constant 79 : i32
    } else {
    }
    %eq3A_3 = arith.constant 1 : i32
    %eq3A_4 = arith.cmpi eq, %arg0, %eq3A_3 : i32
    %convert_element_type3A_5 = arith.extui %eq3A_4 : i1 to i32
    %cond3A_6 = arith.constant 0 : i32
    %cond3A_7 = arith.cmpi ne, %convert_element_type3A_5, %cond3A_6 : i32
    scf.if %cond3A_7 {
      %run_scoped3A = arith.constant 0 : i32
      "tpu.region"() ({
        %run_scoped3A_25 = tpu.sem_alloc : memref<!tpu.dma_semaphore, #tpu.memory_space<semaphore_mem>>
        %dma_start3A = arith.constant 0 : i32
        %dma_start3A_26 = arith.constant 0 : i32
        %dma_start3A_27 = tpu.memref_slice %arg4[%arg1, %run_scoped3A, %dma_start3A, %dma_start3A_26] : memref<16x1x79x128xi32, #tpu.memory_space<hbm>> -> memref<1x1x79x128xi32, #tpu.memory_space<hbm>>
        %dma_start3A_28 = tpu.memref_squeeze %dma_start3A_27 : memref<1x1x79x128xi32, #tpu.memory_space<hbm>> -> memref<79x128xi32, #tpu.memory_space<hbm>>
        %dma_start3A_29 = arith.constant 0 : i32
        %dma_start3A_30 = arith.constant 0 : i32
        %dma_start3A_31 = tpu.memref_slice %arg4[%arg1, %run_scoped3A, %dma_start3A_29, %dma_start3A_30] : memref<16x1x79x128xi32, #tpu.memory_space<hbm>> -> memref<1x1x79x128xi32, #tpu.memory_space<hbm>>
        %dma_start3A_32 = tpu.memref_squeeze %dma_start3A_31 : memref<1x1x79x128xi32, #tpu.memory_space<hbm>> -> memref<79x128xi32, #tpu.memory_space<hbm>>
        tpu.enqueue_dma source(%dma_start3A_32 : memref<79x128xi32, #tpu.memory_space<hbm>>) target(%arg10 : memref<79x128xi32, #tpu.memory_space<vmem>>) target_semaphore(%run_scoped3A_25 : memref<!tpu.dma_semaphore, #tpu.memory_space<semaphore_mem>>)
        %dma_wait3A = arith.constant 0 : i32
        %dma_wait3A_33 = arith.constant 0 : i32
        %dma_wait3A_34 = tpu.memref_slice %arg4[%arg1, %run_scoped3A, %dma_wait3A, %dma_wait3A_33] : memref<16x1x79x128xi32, #tpu.memory_space<hbm>> -> memref<1x1x79x128xi32, #tpu.memory_space<hbm>>
        %dma_wait3A_35 = tpu.memref_squeeze %dma_wait3A_34 : memref<1x1x79x128xi32, #tpu.memory_space<hbm>> -> memref<79x128xi32, #tpu.memory_space<hbm>>
        %dma_wait3A_36 = arith.constant 0 : i32
        %dma_wait3A_37 = arith.constant 0 : i32
        %dma_wait3A_38 = tpu.memref_slice %arg4[%arg1, %run_scoped3A, %dma_wait3A_36, %dma_wait3A_37] : memref<16x1x79x128xi32, #tpu.memory_space<hbm>> -> memref<1x1x79x128xi32, #tpu.memory_space<hbm>>
        %dma_wait3A_39 = tpu.memref_squeeze %dma_wait3A_38 : memref<1x1x79x128xi32, #tpu.memory_space<hbm>> -> memref<79x128xi32, #tpu.memory_space<hbm>>
        tpu.wait_dma2 semaphore(%run_scoped3A_25 : memref<!tpu.dma_semaphore, #tpu.memory_space<semaphore_mem>>) src(%dma_wait3A_39 : memref<79x128xi32, #tpu.memory_space<hbm>>) dst(%arg10 : memref<79x128xi32, #tpu.memory_space<vmem>>)
        tpu.yield
      }) : () -> ()
      %run_scoped3A_19 = arith.constant 0 : i32
      "tpu.region"() ({
        %run_scoped3A_25 = tpu.sem_alloc : memref<!tpu.dma_semaphore, #tpu.memory_space<semaphore_mem>>
        %dma_start3A = arith.constant 0 : i32
        %dma_start3A_26 = arith.constant 0 : i32
        %dma_start3A_27 = tpu.memref_slice %arg5[%arg1, %run_scoped3A_19, %dma_start3A, %dma_start3A_26] : memref<16x1x79x128xi32, #tpu.memory_space<hbm>> -> memref<1x1x79x128xi32, #tpu.memory_space<hbm>>
        %dma_start3A_28 = tpu.memref_squeeze %dma_start3A_27 : memref<1x1x79x128xi32, #tpu.memory_space<hbm>> -> memref<79x128xi32, #tpu.memory_space<hbm>>
        %dma_start3A_29 = arith.constant 0 : i32
        %dma_start3A_30 = arith.constant 0 : i32
        %dma_start3A_31 = tpu.memref_slice %arg5[%arg1, %run_scoped3A_19, %dma_start3A_29, %dma_start3A_30] : memref<16x1x79x128xi32, #tpu.memory_space<hbm>> -> memref<1x1x79x128xi32, #tpu.memory_space<hbm>>
        %dma_start3A_32 = tpu.memref_squeeze %dma_start3A_31 : memref<1x1x79x128xi32, #tpu.memory_space<hbm>> -> memref<79x128xi32, #tpu.memory_space<hbm>>
        tpu.enqueue_dma source(%dma_start3A_32 : memref<79x128xi32, #tpu.memory_space<hbm>>) target(%arg11 : memref<79x128xi32, #tpu.memory_space<vmem>>) target_semaphore(%run_scoped3A_25 : memref<!tpu.dma_semaphore, #tpu.memory_space<semaphore_mem>>)
        %dma_wait3A = arith.constant 0 : i32
        %dma_wait3A_33 = arith.constant 0 : i32
        %dma_wait3A_34 = tpu.memref_slice %arg5[%arg1, %run_scoped3A_19, %dma_wait3A, %dma_wait3A_33] : memref<16x1x79x128xi32, #tpu.memory_space<hbm>> -> memref<1x1x79x128xi32, #tpu.memory_space<hbm>>
        %dma_wait3A_35 = tpu.memref_squeeze %dma_wait3A_34 : memref<1x1x79x128xi32, #tpu.memory_space<hbm>> -> memref<79x128xi32, #tpu.memory_space<hbm>>
        %dma_wait3A_36 = arith.constant 0 : i32
        %dma_wait3A_37 = arith.constant 0 : i32
        %dma_wait3A_38 = tpu.memref_slice %arg5[%arg1, %run_scoped3A_19, %dma_wait3A_36, %dma_wait3A_37] : memref<16x1x79x128xi32, #tpu.memory_space<hbm>> -> memref<1x1x79x128xi32, #tpu.memory_space<hbm>>
        %dma_wait3A_39 = tpu.memref_squeeze %dma_wait3A_38 : memref<1x1x79x128xi32, #tpu.memory_space<hbm>> -> memref<79x128xi32, #tpu.memory_space<hbm>>
        tpu.wait_dma2 semaphore(%run_scoped3A_25 : memref<!tpu.dma_semaphore, #tpu.memory_space<semaphore_mem>>) src(%dma_wait3A_39 : memref<79x128xi32, #tpu.memory_space<hbm>>) dst(%arg11 : memref<79x128xi32, #tpu.memory_space<vmem>>)
        tpu.yield
      }) : () -> ()
      %scan3A = arith.constant 0 : i32
      %scan3A_20 = arith.constant 0 : i32
      %scan3A_21 = arith.constant 79 : i32
      %scan3A_22 = arith.addi %scan3A_20, %scan3A_21 : i32
      %scan3A_23 = arith.constant 1 : i32
      scf.for %scan3A_25 = %scan3A_20 to %scan3A_22 step %scan3A_23  : i32 {
        %dma_start3A = arith.constant 0 : i32
        %dma_start3A_26 = tpu.memref_slice %arg10[%scan3A_25, %dma_start3A] : memref<79x128xi32, #tpu.memory_space<vmem>> -> memref<1x128xi32, #tpu.memory_space<vmem>>
        %dma_start3A_27 = tpu.memref_squeeze %dma_start3A_26 : memref<1x128xi32, #tpu.memory_space<vmem>> -> memref<128xi32, #tpu.memory_space<vmem>>
        %dma_start3A_28 = arith.constant 0 : i32
        %dma_start3A_29 = arith.constant 0 : i32
        %dma_start3A_30 = tpu.memref_slice %arg3[%dma_start3A_28, %dma_start3A_29] : memref<10000x128xf32, #tpu.memory_space<hbm>> -> memref<10000x128xf32, #tpu.memory_space<hbm>>
        tpu.enqueue_indirect_dma source(%dma_start3A_30 : memref<10000x128xf32, #tpu.memory_space<hbm>>) target(%arg12 : memref<128x128xf32, #tpu.memory_space<vmem>>) offsets(%dma_start3A_27 : memref<128xi32, #tpu.memory_space<vmem>>) semaphore(%arg13 : memref<!tpu.dma_semaphore, #tpu.memory_space<semaphore_mem>>)
        %dma_wait3A = arith.constant 0 : i32
        %dma_wait3A_31 = tpu.memref_slice %arg10[%scan3A_25, %dma_wait3A] : memref<79x128xi32, #tpu.memory_space<vmem>> -> memref<1x128xi32, #tpu.memory_space<vmem>>
        %dma_wait3A_32 = tpu.memref_squeeze %dma_wait3A_31 : memref<1x128xi32, #tpu.memory_space<vmem>> -> memref<128xi32, #tpu.memory_space<vmem>>
        %dma_wait3A_33 = arith.constant 0 : i32
        %dma_wait3A_34 = arith.constant 0 : i32
        %dma_wait3A_35 = tpu.memref_slice %arg3[%dma_wait3A_33, %dma_wait3A_34] : memref<10000x128xf32, #tpu.memory_space<hbm>> -> memref<10000x128xf32, #tpu.memory_space<hbm>>
        tpu.wait_indirect_dma semaphore(%arg13 : memref<!tpu.dma_semaphore, #tpu.memory_space<semaphore_mem>>) src(%dma_wait3A_35 : memref<10000x128xf32, #tpu.memory_space<hbm>>) dst(%arg12 : memref<128x128xf32, #tpu.memory_space<vmem>>)
        "tpu.region"() ({
          %run_scoped3A_36 = tpu.sem_alloc : memref<!tpu.dma_semaphore, #tpu.memory_space<semaphore_mem>>
          %dma_start3A_37 = arith.constant 0 : i32
          %dma_start3A_38 = tpu.memref_slice %arg11[%scan3A_25, %dma_start3A_37] : memref<79x128xi32, #tpu.memory_space<vmem>> -> memref<1x128xi32, #tpu.memory_space<vmem>>
          %dma_start3A_39 = tpu.memref_squeeze %dma_start3A_38 : memref<1x128xi32, #tpu.memory_space<vmem>> -> memref<128xi32, #tpu.memory_space<vmem>>
          %dma_start3A_40 = arith.constant 0 : i32
          %dma_start3A_41 = arith.constant 0 : i32
          %dma_start3A_42 = tpu.memref_slice %arg9[%dma_start3A_40, %dma_start3A_41] : memref<10240x128xf32, #tpu.memory_space<vmem_shared>> -> memref<10240x128xf32, #tpu.memory_space<vmem_shared>>
          tpu.enqueue_indirect_dma source(%arg12 : memref<128x128xf32, #tpu.memory_space<vmem>>) target(%dma_start3A_42 : memref<10240x128xf32, #tpu.memory_space<vmem_shared>>) offsets(%dma_start3A_39 : memref<128xi32, #tpu.memory_space<vmem>>) semaphore(%run_scoped3A_36 : memref<!tpu.dma_semaphore, #tpu.memory_space<semaphore_mem>>) {add = true}
          %dma_wait3A_43 = arith.constant 0 : i32
          %dma_wait3A_44 = tpu.memref_slice %arg11[%scan3A_25, %dma_wait3A_43] : memref<79x128xi32, #tpu.memory_space<vmem>> -> memref<1x128xi32, #tpu.memory_space<vmem>>
          %dma_wait3A_45 = tpu.memref_squeeze %dma_wait3A_44 : memref<1x128xi32, #tpu.memory_space<vmem>> -> memref<128xi32, #tpu.memory_space<vmem>>
          %dma_wait3A_46 = arith.constant 0 : i32
          %dma_wait3A_47 = arith.constant 0 : i32
          %dma_wait3A_48 = tpu.memref_slice %arg9[%dma_wait3A_46, %dma_wait3A_47] : memref<10240x128xf32, #tpu.memory_space<vmem_shared>> -> memref<10240x128xf32, #tpu.memory_space<vmem_shared>>
          tpu.wait_indirect_dma semaphore(%run_scoped3A_36 : memref<!tpu.dma_semaphore, #tpu.memory_space<semaphore_mem>>) src(%arg12 : memref<128x128xf32, #tpu.memory_space<vmem>>) dst(%dma_wait3A_48 : memref<10240x128xf32, #tpu.memory_space<vmem_shared>>)
          tpu.yield
        }) : () -> ()
      }
      %scan3A_24 = arith.constant 79 : i32
    } else {
    }
    %barrier3A_8 = arith.constant 0 : index
    tpu.barrier barrier_id(%barrier3A_8)
    %eq3A_9 = arith.constant 0 : i32
    %eq3A_10 = arith.cmpi eq, %arg0, %eq3A_9 : i32
    %convert_element_type3A_11 = arith.extui %eq3A_10 : i1 to i32
    %cond3A_12 = arith.constant 0 : i32
    %cond3A_13 = arith.cmpi ne, %convert_element_type3A_11, %cond3A_12 : i32
    scf.if %cond3A_13 {
      "tpu.region"() ({
        %run_scoped3A = tpu.sem_alloc : memref<!tpu.dma_semaphore, #tpu.memory_space<semaphore_mem>>
        %dma_start3A = arith.constant 0 : i32
        %dma_start3A_19 = tpu.memref_slice %arg7[%mul3A_0, %dma_start3A] : memref<10240x128xf32, #tpu.memory_space<hbm>> -> memref<640x128xf32, #tpu.memory_space<hbm>>
        %dma_start3A_20 = arith.constant 0 : i32
        %dma_start3A_21 = tpu.memref_slice %arg9[%mul3A_0, %dma_start3A_20] : memref<10240x128xf32, #tpu.memory_space<vmem_shared>> -> memref<640x128xf32, #tpu.memory_space<vmem_shared>>
        tpu.enqueue_dma source(%dma_start3A_21 : memref<640x128xf32, #tpu.memory_space<vmem_shared>>) target(%dma_start3A_19 : memref<640x128xf32, #tpu.memory_space<hbm>>) target_semaphore(%run_scoped3A : memref<!tpu.dma_semaphore, #tpu.memory_space<semaphore_mem>>)
        %dma_wait3A = arith.constant 0 : i32
        %dma_wait3A_22 = tpu.memref_slice %arg7[%mul3A_0, %dma_wait3A] : memref<10240x128xf32, #tpu.memory_space<hbm>> -> memref<640x128xf32, #tpu.memory_space<hbm>>
        %dma_wait3A_23 = arith.constant 0 : i32
        %dma_wait3A_24 = tpu.memref_slice %arg9[%mul3A_0, %dma_wait3A_23] : memref<10240x128xf32, #tpu.memory_space<vmem_shared>> -> memref<640x128xf32, #tpu.memory_space<vmem_shared>>
        tpu.wait_dma2 semaphore(%run_scoped3A : memref<!tpu.dma_semaphore, #tpu.memory_space<semaphore_mem>>) src(%dma_wait3A_24 : memref<640x128xf32, #tpu.memory_space<vmem_shared>>) dst(%dma_wait3A_22 : memref<640x128xf32, #tpu.memory_space<hbm>>)
        tpu.yield
      }) : () -> ()
    } else {
    }
    %eq3A_14 = arith.constant 1 : i32
    %eq3A_15 = arith.cmpi eq, %arg0, %eq3A_14 : i32
    %convert_element_type3A_16 = arith.extui %eq3A_15 : i1 to i32
    %cond3A_17 = arith.constant 0 : i32
    %cond3A_18 = arith.cmpi ne, %convert_element_type3A_16, %cond3A_17 : i32
    scf.if %cond3A_18 {
      "tpu.region"() ({
        %run_scoped3A = tpu.sem_alloc : memref<!tpu.dma_semaphore, #tpu.memory_space<semaphore_mem>>
        %dma_start3A = arith.constant 0 : i32
        %dma_start3A_19 = tpu.memref_slice %arg8[%mul3A_0, %dma_start3A] : memref<10240x128xf32, #tpu.memory_space<hbm>> -> memref<640x128xf32, #tpu.memory_space<hbm>>
        %dma_start3A_20 = arith.constant 0 : i32
        %dma_start3A_21 = tpu.memref_slice %arg9[%mul3A_0, %dma_start3A_20] : memref<10240x128xf32, #tpu.memory_space<vmem_shared>> -> memref<640x128xf32, #tpu.memory_space<vmem_shared>>
        tpu.enqueue_dma source(%dma_start3A_21 : memref<640x128xf32, #tpu.memory_space<vmem_shared>>) target(%dma_start3A_19 : memref<640x128xf32, #tpu.memory_space<hbm>>) target_semaphore(%run_scoped3A : memref<!tpu.dma_semaphore, #tpu.memory_space<semaphore_mem>>)
        %dma_wait3A = arith.constant 0 : i32
        %dma_wait3A_22 = tpu.memref_slice %arg8[%mul3A_0, %dma_wait3A] : memref<10240x128xf32, #tpu.memory_space<hbm>> -> memref<640x128xf32, #tpu.memory_space<hbm>>
        %dma_wait3A_23 = arith.constant 0 : i32
        %dma_wait3A_24 = tpu.memref_slice %arg9[%mul3A_0, %dma_wait3A_23] : memref<10240x128xf32, #tpu.memory_space<vmem_shared>> -> memref<640x128xf32, #tpu.memory_space<vmem_shared>>
        tpu.wait_dma2 semaphore(%run_scoped3A : memref<!tpu.dma_semaphore, #tpu.memory_space<semaphore_mem>>) src(%dma_wait3A_24 : memref<640x128xf32, #tpu.memory_space<vmem_shared>>) dst(%dma_wait3A_22 : memref<640x128xf32, #tpu.memory_space<hbm>>)
        tpu.yield
      }) : () -> ()
    } else {
    }
    return
  }
}

module attributes {stable_mosaic.version = 14 : i64} {
  func.func @_proj_body(%arg0: i32, %arg1: memref<1000x512xf32, #tpu.memory_space<vmem>>, %arg2: memref<512x256xf32, #tpu.memory_space<vmem>>, %arg3: memref<1000x128xf32, #tpu.memory_space<vmem>>, %arg4: memref<1000x128xf32, #tpu.memory_space<vmem>>) attributes {dimension_semantics = [#tpu.dimension_semantics<arbitrary>], iteration_bounds = array<i64: 10>, scalar_prefetch = 0 : i64, scratch_operands = 0 : i64, tpu.core_type = #tpu.core_type<tc>, window_params = [{transform_indices = @transform_0, window_bounds = array<i64: 1000, 512>}, {pipeline_mode = #tpu.pipeline_mode<synchronous>, transform_indices = @transform_1, window_bounds = array<i64: 512, 256>}, {transform_indices = @transform_2, window_bounds = array<i64: 1000, 128>}, {transform_indices = @transform_3, window_bounds = array<i64: 1000, 128>}]} {
    %get3A = arith.constant 0 : index
    %get3A_0 = arith.constant 0 : index
    %get3A_1 = vector.load %arg1[%get3A, %get3A_0] : memref<1000x512xf32, #tpu.memory_space<vmem>>, vector<1000x512xf32>
    %get3A_2 = arith.constant 0 : index
    %get3A_3 = arith.constant 0 : index
    %get3A_4 = vector.load %arg2[%get3A_2, %get3A_3] : memref<512x256xf32, #tpu.memory_space<vmem>>, vector<512x256xf32>
    %dot_general3A = arith.constant dense<0.000000e+00> : vector<1000x256xf32>
    %dot_general3A_5 = tpu.matmul %get3A_1, %get3A_4, %dot_general3A {dimension_numbers = #tpu.dot_dimension_numbers<[1], [0], [0], [1], [0, 0, 1, 1], [], []>, transpose_lhs_hint = false} : vector<1000x512xf32>, vector<512x256xf32>, vector<1000x256xf32> -> vector<1000x256xf32>
    %slice3A = vector.extract_strided_slice %dot_general3A_5 {offsets = [0, 0], sizes = [1000, 128], strides = [1, 1]} : vector<1000x256xf32> to vector<1000x128xf32>
    %swap3A = arith.constant 0 : index
    %swap3A_6 = arith.constant 0 : index
    %swap3A_7 = vector.load %arg3[%swap3A, %swap3A_6] : memref<1000x128xf32, #tpu.memory_space<vmem>>, vector<1000x128xf32>
    tpu.vector_store %arg3[%swap3A, %swap3A_6], %slice3A {strides = array<i32>} : memref<1000x128xf32, #tpu.memory_space<vmem>>, vector<1000x128xf32>,
    %slice3A_8 = vector.extract_strided_slice %dot_general3A_5 {offsets = [0, 128], sizes = [1000, 128], strides = [1, 1]} : vector<1000x256xf32> to vector<1000x128xf32>
    %swap3A_9 = arith.constant 0 : index
    %swap3A_10 = arith.constant 0 : index
    %swap3A_11 = vector.load %arg4[%swap3A_9, %swap3A_10] : memref<1000x128xf32, #tpu.memory_space<vmem>>, vector<1000x128xf32>
    tpu.vector_store %arg4[%swap3A_9, %swap3A_10], %slice3A_8 {strides = array<i32>} : memref<1000x128xf32, #tpu.memory_space<vmem>>, vector<1000x128xf32>,
    return
  }
  func.func @transform_0(%arg0: i32) -> (i32, i32) {
    %c0_i32 = arith.constant 0 : i32
    %c0_i32_0 = arith.constant 0 : i32
    return %arg0, %c0_i32 : i32, i32
  }
  func.func @transform_1(%arg0: i32) -> (i32, i32) {
    %c0_i32 = arith.constant 0 : i32
    %c0_i32_0 = arith.constant 0 : i32
    %c0_i32_1 = arith.constant 0 : i32
    return %c0_i32, %c0_i32_0 : i32, i32
  }
  func.func @transform_2(%arg0: i32) -> (i32, i32) {
    %c0_i32 = arith.constant 0 : i32
    %c0_i32_0 = arith.constant 0 : i32
    return %arg0, %c0_i32 : i32, i32
  }
  func.func @transform_3(%arg0: i32) -> (i32, i32) {
    %c0_i32 = arith.constant 0 : i32
    %c0_i32_0 = arith.constant 0 : i32
    return %arg0, %c0_i32 : i32, i32
  }
}

module attributes {stable_mosaic.version = 14 : i64} {
  func.func @_mid1_body(%arg0: i32, %arg1: memref<1000x128xf32, #tpu.memory_space<vmem>>, %arg2: memref<1000x128xf32, #tpu.memory_space<vmem>>, %arg3: memref<1000x128xf32, #tpu.memory_space<vmem>>, %arg4: memref<1000x128xf32, #tpu.memory_space<vmem>>, %arg5: memref<1x256xf32, #tpu.memory_space<vmem>>, %arg6: memref<256x256xf32, #tpu.memory_space<vmem>>, %arg7: memref<1x256xf32, #tpu.memory_space<vmem>>, %arg8: memref<1x256xf32, #tpu.memory_space<vmem>>, %arg9: memref<1x256xf32, #tpu.memory_space<vmem>>, %arg10: memref<256x256xf32, #tpu.memory_space<vmem>>, %arg11: memref<1000x256xf32, #tpu.memory_space<vmem>>, %arg12: memref<1000x128xf32, #tpu.memory_space<vmem>>, %arg13: memref<1000x128xf32, #tpu.memory_space<vmem>>) attributes {dimension_semantics = [#tpu.dimension_semantics<arbitrary>], iteration_bounds = array<i64: 10>, scalar_prefetch = 0 : i64, scratch_operands = 0 : i64, tpu.core_type = #tpu.core_type<tc>, window_params = [{transform_indices = @transform_0, window_bounds = array<i64: 1000, 128>}, {transform_indices = @transform_1, window_bounds = array<i64: 1000, 128>}, {transform_indices = @transform_2, window_bounds = array<i64: 1000, 128>}, {transform_indices = @transform_3, window_bounds = array<i64: 1000, 128>}, {pipeline_mode = #tpu.pipeline_mode<synchronous>, transform_indices = @transform_4, window_bounds = array<i64: 1, 256>}, {pipeline_mode = #tpu.pipeline_mode<synchronous>, transform_indices = @transform_5, window_bounds = array<i64: 256, 256>}, {pipeline_mode = #tpu.pipeline_mode<synchronous>, transform_indices = @transform_6, window_bounds = array<i64: 1, 256>}, {pipeline_mode = #tpu.pipeline_mode<synchronous>, transform_indices = @transform_7, window_bounds = array<i64: 1, 256>}, {pipeline_mode = #tpu.pipeline_mode<synchronous>, transform_indices = @transform_8, window_bounds = array<i64: 1, 256>}, {pipeline_mode = #tpu.pipeline_mode<synchronous>, transform_indices = @transform_9, window_bounds = array<i64: 256, 256>}, {transform_indices = @transform_10, window_bounds = array<i64: 1000, 256>}, {transform_indices = @transform_11, window_bounds = array<i64: 1000, 128>}, {transform_indices = @transform_12, window_bounds = array<i64: 1000, 128>}]} {
    %get3A = arith.constant 0 : index
    %get3A_0 = arith.constant 0 : index
    %get3A_1 = vector.load %arg1[%get3A, %get3A_0] : memref<1000x128xf32, #tpu.memory_space<vmem>>, vector<1000x128xf32>
    %get3A_2 = arith.constant 0 : index
    %get3A_3 = arith.constant 0 : index
    %get3A_4 = vector.load %arg2[%get3A_2, %get3A_3] : memref<1000x128xf32, #tpu.memory_space<vmem>>, vector<1000x128xf32>
    %add3A = arith.addf %get3A_1, %get3A_4 : vector<1000x128xf32>
    %get3A_5 = arith.constant 0 : index
    %get3A_6 = arith.constant 0 : index
    %get3A_7 = vector.load %arg3[%get3A_5, %get3A_6] : memref<1000x128xf32, #tpu.memory_space<vmem>>, vector<1000x128xf32>
    %get3A_8 = arith.constant 0 : index
    %get3A_9 = arith.constant 0 : index
    %get3A_10 = vector.load %arg4[%get3A_8, %get3A_9] : memref<1000x128xf32, #tpu.memory_space<vmem>>, vector<1000x128xf32>
    %add3A_11 = arith.addf %get3A_7, %get3A_10 : vector<1000x128xf32>
    %concatenate3A = tpu.concatenate %add3A, %add3A_11 in 1 : vector<1000x128xf32>, vector<1000x128xf32> -> vector<1000x256xf32>
    %get3A_12 = arith.constant 0 : index
    %get3A_13 = arith.constant 0 : index
    %get3A_14 = vector.load %arg5[%get3A_12, %get3A_13] : memref<1x256xf32, #tpu.memory_space<vmem>>, vector<1x256xf32>
    %add3A_15 = vector.broadcast %get3A_14 : vector<1x256xf32> to vector<1000x256xf32>
    %add3A_16 = arith.addf %concatenate3A, %add3A_15 : vector<1000x256xf32>
    %max3A = arith.constant 0.000000e+00 : f32
    %max3A_17 = vector.broadcast %max3A : f32 to vector<1000x256xf32>
    %max3A_18 = arith.maximumf %add3A_16, %max3A_17 : vector<1000x256xf32>
    %get3A_19 = arith.constant 0 : index
    %get3A_20 = arith.constant 0 : index
    %get3A_21 = vector.load %arg6[%get3A_19, %get3A_20] : memref<256x256xf32, #tpu.memory_space<vmem>>, vector<256x256xf32>
    %dot_general3A = arith.constant dense<0.000000e+00> : vector<1000x256xf32>
    %dot_general3A_22 = tpu.matmul %max3A_18, %get3A_21, %dot_general3A {dimension_numbers = #tpu.dot_dimension_numbers<[1], [0], [0], [1], [0, 0, 1, 1], [], []>, transpose_lhs_hint = false} : vector<1000x256xf32>, vector<256x256xf32>, vector<1000x256xf32> -> vector<1000x256xf32>
    %get3A_23 = arith.constant 0 : index
    %get3A_24 = arith.constant 0 : index
    %get3A_25 = vector.load %arg7[%get3A_23, %get3A_24] : memref<1x256xf32, #tpu.memory_space<vmem>>, vector<1x256xf32>
    %add3A_26 = vector.broadcast %get3A_25 : vector<1x256xf32> to vector<1000x256xf32>
    %add3A_27 = arith.addf %dot_general3A_22, %add3A_26 : vector<1000x256xf32>
    %max3A_28 = arith.constant 0.000000e+00 : f32
    %max3A_29 = vector.broadcast %max3A_28 : f32 to vector<1000x256xf32>
    %max3A_30 = arith.maximumf %add3A_27, %max3A_29 : vector<1000x256xf32>
    %get3A_31 = arith.constant 0 : index
    %get3A_32 = arith.constant 0 : index
    %get3A_33 = vector.load %arg8[%get3A_31, %get3A_32] : memref<1x256xf32, #tpu.memory_space<vmem>>, vector<1x256xf32>
    %mul3A = vector.broadcast %get3A_33 : vector<1x256xf32> to vector<1000x256xf32>
    %mul3A_34 = arith.mulf %max3A_30, %mul3A : vector<1000x256xf32>
    %get3A_35 = arith.constant 0 : index
    %get3A_36 = arith.constant 0 : index
    %get3A_37 = vector.load %arg9[%get3A_35, %get3A_36] : memref<1x256xf32, #tpu.memory_space<vmem>>, vector<1x256xf32>
    %add3A_38 = vector.broadcast %get3A_37 : vector<1x256xf32> to vector<1000x256xf32>
    %add3A_39 = arith.addf %mul3A_34, %add3A_38 : vector<1000x256xf32>
    %swap3A = arith.constant 0 : index
    %swap3A_40 = arith.constant 0 : index
    %swap3A_41 = vector.load %arg11[%swap3A, %swap3A_40] : memref<1000x256xf32, #tpu.memory_space<vmem>>, vector<1000x256xf32>
    tpu.vector_store %arg11[%swap3A, %swap3A_40], %add3A_39 {strides = array<i32>} : memref<1000x256xf32, #tpu.memory_space<vmem>>, vector<1000x256xf32>,
    %get3A_42 = arith.constant 0 : index
    %get3A_43 = arith.constant 0 : index
    %get3A_44 = vector.load %arg10[%get3A_42, %get3A_43] : memref<256x256xf32, #tpu.memory_space<vmem>>, vector<256x256xf32>
    %dot_general3A_45 = arith.constant dense<0.000000e+00> : vector<1000x256xf32>
    %dot_general3A_46 = tpu.matmul %add3A_39, %get3A_44, %dot_general3A_45 {dimension_numbers = #tpu.dot_dimension_numbers<[1], [0], [0], [1], [0, 0, 1, 1], [], []>, transpose_lhs_hint = false} : vector<1000x256xf32>, vector<256x256xf32>, vector<1000x256xf32> -> vector<1000x256xf32>
    %slice3A = vector.extract_strided_slice %dot_general3A_46 {offsets = [0, 0], sizes = [1000, 128], strides = [1, 1]} : vector<1000x256xf32> to vector<1000x128xf32>
    %swap3A_47 = arith.constant 0 : index
    %swap3A_48 = arith.constant 0 : index
    %swap3A_49 = vector.load %arg12[%swap3A_47, %swap3A_48] : memref<1000x128xf32, #tpu.memory_space<vmem>>, vector<1000x128xf32>
    tpu.vector_store %arg12[%swap3A_47, %swap3A_48], %slice3A {strides = array<i32>} : memref<1000x128xf32, #tpu.memory_space<vmem>>, vector<1000x128xf32>,
    %slice3A_50 = vector.extract_strided_slice %dot_general3A_46 {offsets = [0, 128], sizes = [1000, 128], strides = [1, 1]} : vector<1000x256xf32> to vector<1000x128xf32>
    %swap3A_51 = arith.constant 0 : index
    %swap3A_52 = arith.constant 0 : index
    %swap3A_53 = vector.load %arg13[%swap3A_51, %swap3A_52] : memref<1000x128xf32, #tpu.memory_space<vmem>>, vector<1000x128xf32>
    tpu.vector_store %arg13[%swap3A_51, %swap3A_52], %slice3A_50 {strides = array<i32>} : memref<1000x128xf32, #tpu.memory_space<vmem>>, vector<1000x128xf32>,
    return
  }
  func.func @transform_0(%arg0: i32) -> (i32, i32) {
    %c0_i32 = arith.constant 0 : i32
    %c0_i32_0 = arith.constant 0 : i32
    return %arg0, %c0_i32 : i32, i32
  }
  func.func @transform_1(%arg0: i32) -> (i32, i32) {
    %c0_i32 = arith.constant 0 : i32
    %c0_i32_0 = arith.constant 0 : i32
    return %arg0, %c0_i32 : i32, i32
  }
  func.func @transform_2(%arg0: i32) -> (i32, i32) {
    %c0_i32 = arith.constant 0 : i32
    %c0_i32_0 = arith.constant 0 : i32
    return %arg0, %c0_i32 : i32, i32
  }
  func.func @transform_3(%arg0: i32) -> (i32, i32) {
    %c0_i32 = arith.constant 0 : i32
    %c0_i32_0 = arith.constant 0 : i32
    return %arg0, %c0_i32 : i32, i32
  }
  func.func @transform_4(%arg0: i32) -> (i32, i32) {
    %c0_i32 = arith.constant 0 : i32
    %c0_i32_0 = arith.constant 0 : i32
    %c0_i32_1 = arith.constant 0 : i32
    return %c0_i32, %c0_i32_0 : i32, i32
  }
  func.func @transform_5(%arg0: i32) -> (i32, i32) {
    %c0_i32 = arith.constant 0 : i32
    %c0_i32_0 = arith.constant 0 : i32
    %c0_i32_1 = arith.constant 0 : i32
    return %c0_i32, %c0_i32_0 : i32, i32
  }
  func.func @transform_6(%arg0: i32) -> (i32, i32) {
    %c0_i32 = arith.constant 0 : i32
    %c0_i32_0 = arith.constant 0 : i32
    %c0_i32_1 = arith.constant 0 : i32
    return %c0_i32, %c0_i32_0 : i32, i32
  }
  func.func @transform_7(%arg0: i32) -> (i32, i32) {
    %c0_i32 = arith.constant 0 : i32
    %c0_i32_0 = arith.constant 0 : i32
    %c0_i32_1 = arith.constant 0 : i32
    return %c0_i32, %c0_i32_0 : i32, i32
  }
  func.func @transform_8(%arg0: i32) -> (i32, i32) {
    %c0_i32 = arith.constant 0 : i32
    %c0_i32_0 = arith.constant 0 : i32
    %c0_i32_1 = arith.constant 0 : i32
    return %c0_i32, %c0_i32_0 : i32, i32
  }
  func.func @transform_9(%arg0: i32) -> (i32, i32) {
    %c0_i32 = arith.constant 0 : i32
    %c0_i32_0 = arith.constant 0 : i32
    %c0_i32_1 = arith.constant 0 : i32
    return %c0_i32, %c0_i32_0 : i32, i32
  }
  func.func @transform_10(%arg0: i32) -> (i32, i32) {
    %c0_i32 = arith.constant 0 : i32
    %c0_i32_0 = arith.constant 0 : i32
    return %arg0, %c0_i32 : i32, i32
  }
  func.func @transform_11(%arg0: i32) -> (i32, i32) {
    %c0_i32 = arith.constant 0 : i32
    %c0_i32_0 = arith.constant 0 : i32
    return %arg0, %c0_i32 : i32, i32
  }
  func.func @transform_12(%arg0: i32) -> (i32, i32) {
    %c0_i32 = arith.constant 0 : i32
    %c0_i32_0 = arith.constant 0 : i32
    return %arg0, %c0_i32 : i32, i32
  }
}

module attributes {stable_mosaic.version = 14 : i64} {
  func.func @_mid2_body(%arg0: i32, %arg1: memref<1000x128xf32, #tpu.memory_space<vmem>>, %arg2: memref<1000x128xf32, #tpu.memory_space<vmem>>, %arg3: memref<1000x128xf32, #tpu.memory_space<vmem>>, %arg4: memref<1000x128xf32, #tpu.memory_space<vmem>>, %arg5: memref<1000x256xf32, #tpu.memory_space<vmem>>, %arg6: memref<1x256xf32, #tpu.memory_space<vmem>>, %arg7: memref<256x256xf32, #tpu.memory_space<vmem>>, %arg8: memref<1x256xf32, #tpu.memory_space<vmem>>, %arg9: memref<1x256xf32, #tpu.memory_space<vmem>>, %arg10: memref<1x256xf32, #tpu.memory_space<vmem>>, %arg11: memref<256x256xf32, #tpu.memory_space<vmem>>, %arg12: memref<1000x256xf32, #tpu.memory_space<vmem>>, %arg13: memref<1000x128xf32, #tpu.memory_space<vmem>>, %arg14: memref<1000x128xf32, #tpu.memory_space<vmem>>) attributes {dimension_semantics = [#tpu.dimension_semantics<arbitrary>], iteration_bounds = array<i64: 10>, scalar_prefetch = 0 : i64, scratch_operands = 0 : i64, tpu.core_type = #tpu.core_type<tc>, window_params = [{transform_indices = @transform_0, window_bounds = array<i64: 1000, 128>}, {transform_indices = @transform_1, window_bounds = array<i64: 1000, 128>}, {transform_indices = @transform_2, window_bounds = array<i64: 1000, 128>}, {transform_indices = @transform_3, window_bounds = array<i64: 1000, 128>}, {transform_indices = @transform_4, window_bounds = array<i64: 1000, 256>}, {pipeline_mode = #tpu.pipeline_mode<synchronous>, transform_indices = @transform_5, window_bounds = array<i64: 1, 256>}, {pipeline_mode = #tpu.pipeline_mode<synchronous>, transform_indices = @transform_6, window_bounds = array<i64: 256, 256>}, {pipeline_mode = #tpu.pipeline_mode<synchronous>, transform_indices = @transform_7, window_bounds = array<i64: 1, 256>}, {pipeline_mode = #tpu.pipeline_mode<synchronous>, transform_indices = @transform_8, window_bounds = array<i64: 1, 256>}, {pipeline_mode = #tpu.pipeline_mode<synchronous>, transform_indices = @transform_9, window_bounds = array<i64: 1, 256>}, {pipeline_mode = #tpu.pipeline_mode<synchronous>, transform_indices = @transform_10, window_bounds = array<i64: 256, 256>}, {transform_indices = @transform_11, window_bounds = array<i64: 1000, 256>}, {transform_indices = @transform_12, window_bounds = array<i64: 1000, 128>}, {transform_indices = @transform_13, window_bounds = array<i64: 1000, 128>}]} {
    %get3A = arith.constant 0 : index
    %get3A_0 = arith.constant 0 : index
    %get3A_1 = vector.load %arg1[%get3A, %get3A_0] : memref<1000x128xf32, #tpu.memory_space<vmem>>, vector<1000x128xf32>
    %get3A_2 = arith.constant 0 : index
    %get3A_3 = arith.constant 0 : index
    %get3A_4 = vector.load %arg2[%get3A_2, %get3A_3] : memref<1000x128xf32, #tpu.memory_space<vmem>>, vector<1000x128xf32>
    %add3A = arith.addf %get3A_1, %get3A_4 : vector<1000x128xf32>
    %get3A_5 = arith.constant 0 : index
    %get3A_6 = arith.constant 0 : index
    %get3A_7 = vector.load %arg3[%get3A_5, %get3A_6] : memref<1000x128xf32, #tpu.memory_space<vmem>>, vector<1000x128xf32>
    %get3A_8 = arith.constant 0 : index
    %get3A_9 = arith.constant 0 : index
    %get3A_10 = vector.load %arg4[%get3A_8, %get3A_9] : memref<1000x128xf32, #tpu.memory_space<vmem>>, vector<1000x128xf32>
    %add3A_11 = arith.addf %get3A_7, %get3A_10 : vector<1000x128xf32>
    %concatenate3A = tpu.concatenate %add3A, %add3A_11 in 1 : vector<1000x128xf32>, vector<1000x128xf32> -> vector<1000x256xf32>
    %get3A_12 = arith.constant 0 : index
    %get3A_13 = arith.constant 0 : index
    %get3A_14 = vector.load %arg6[%get3A_12, %get3A_13] : memref<1x256xf32, #tpu.memory_space<vmem>>, vector<1x256xf32>
    %add3A_15 = vector.broadcast %get3A_14 : vector<1x256xf32> to vector<1000x256xf32>
    %add3A_16 = arith.addf %concatenate3A, %add3A_15 : vector<1000x256xf32>
    %max3A = arith.constant 0.000000e+00 : f32
    %max3A_17 = vector.broadcast %max3A : f32 to vector<1000x256xf32>
    %max3A_18 = arith.maximumf %add3A_16, %max3A_17 : vector<1000x256xf32>
    %get3A_19 = arith.constant 0 : index
    %get3A_20 = arith.constant 0 : index
    %get3A_21 = vector.load %arg7[%get3A_19, %get3A_20] : memref<256x256xf32, #tpu.memory_space<vmem>>, vector<256x256xf32>
    %dot_general3A = arith.constant dense<0.000000e+00> : vector<1000x256xf32>
    %dot_general3A_22 = tpu.matmul %max3A_18, %get3A_21, %dot_general3A {dimension_numbers = #tpu.dot_dimension_numbers<[1], [0], [0], [1], [0, 0, 1, 1], [], []>, transpose_lhs_hint = false} : vector<1000x256xf32>, vector<256x256xf32>, vector<1000x256xf32> -> vector<1000x256xf32>
    %get3A_23 = arith.constant 0 : index
    %get3A_24 = arith.constant 0 : index
    %get3A_25 = vector.load %arg8[%get3A_23, %get3A_24] : memref<1x256xf32, #tpu.memory_space<vmem>>, vector<1x256xf32>
    %add3A_26 = vector.broadcast %get3A_25 : vector<1x256xf32> to vector<1000x256xf32>
    %add3A_27 = arith.addf %dot_general3A_22, %add3A_26 : vector<1000x256xf32>
    %get3A_28 = arith.constant 0 : index
    %get3A_29 = arith.constant 0 : index
    %get3A_30 = vector.load %arg5[%get3A_28, %get3A_29] : memref<1000x256xf32, #tpu.memory_space<vmem>>, vector<1000x256xf32>
    %max3A_31 = arith.constant 0.000000e+00 : f32
    %max3A_32 = vector.broadcast %max3A_31 : f32 to vector<1000x256xf32>
    %max3A_33 = arith.maximumf %add3A_27, %max3A_32 : vector<1000x256xf32>
    %add3A_34 = arith.addf %get3A_30, %max3A_33 : vector<1000x256xf32>
    %get3A_35 = arith.constant 0 : index
    %get3A_36 = arith.constant 0 : index
    %get3A_37 = vector.load %arg9[%get3A_35, %get3A_36] : memref<1x256xf32, #tpu.memory_space<vmem>>, vector<1x256xf32>
    %mul3A = vector.broadcast %get3A_37 : vector<1x256xf32> to vector<1000x256xf32>
    %mul3A_38 = arith.mulf %add3A_34, %mul3A : vector<1000x256xf32>
    %get3A_39 = arith.constant 0 : index
    %get3A_40 = arith.constant 0 : index
    %get3A_41 = vector.load %arg10[%get3A_39, %get3A_40] : memref<1x256xf32, #tpu.memory_space<vmem>>, vector<1x256xf32>
    %add3A_42 = vector.broadcast %get3A_41 : vector<1x256xf32> to vector<1000x256xf32>
    %add3A_43 = arith.addf %mul3A_38, %add3A_42 : vector<1000x256xf32>
    %swap3A = arith.constant 0 : index
    %swap3A_44 = arith.constant 0 : index
    %swap3A_45 = vector.load %arg12[%swap3A, %swap3A_44] : memref<1000x256xf32, #tpu.memory_space<vmem>>, vector<1000x256xf32>
    tpu.vector_store %arg12[%swap3A, %swap3A_44], %add3A_43 {strides = array<i32>} : memref<1000x256xf32, #tpu.memory_space<vmem>>, vector<1000x256xf32>,
    %get3A_46 = arith.constant 0 : index
    %get3A_47 = arith.constant 0 : index
    %get3A_48 = vector.load %arg11[%get3A_46, %get3A_47] : memref<256x256xf32, #tpu.memory_space<vmem>>, vector<256x256xf32>
    %dot_general3A_49 = arith.constant dense<0.000000e+00> : vector<1000x256xf32>
    %dot_general3A_50 = tpu.matmul %add3A_43, %get3A_48, %dot_general3A_49 {dimension_numbers = #tpu.dot_dimension_numbers<[1], [0], [0], [1], [0, 0, 1, 1], [], []>, transpose_lhs_hint = false} : vector<1000x256xf32>, vector<256x256xf32>, vector<1000x256xf32> -> vector<1000x256xf32>
    %slice3A = vector.extract_strided_slice %dot_general3A_50 {offsets = [0, 0], sizes = [1000, 128], strides = [1, 1]} : vector<1000x256xf32> to vector<1000x128xf32>
    %swap3A_51 = arith.constant 0 : index
    %swap3A_52 = arith.constant 0 : index
    %swap3A_53 = vector.load %arg13[%swap3A_51, %swap3A_52] : memref<1000x128xf32, #tpu.memory_space<vmem>>, vector<1000x128xf32>
    tpu.vector_store %arg13[%swap3A_51, %swap3A_52], %slice3A {strides = array<i32>} : memref<1000x128xf32, #tpu.memory_space<vmem>>, vector<1000x128xf32>,
    %slice3A_54 = vector.extract_strided_slice %dot_general3A_50 {offsets = [0, 128], sizes = [1000, 128], strides = [1, 1]} : vector<1000x256xf32> to vector<1000x128xf32>
    %swap3A_55 = arith.constant 0 : index
    %swap3A_56 = arith.constant 0 : index
    %swap3A_57 = vector.load %arg14[%swap3A_55, %swap3A_56] : memref<1000x128xf32, #tpu.memory_space<vmem>>, vector<1000x128xf32>
    tpu.vector_store %arg14[%swap3A_55, %swap3A_56], %slice3A_54 {strides = array<i32>} : memref<1000x128xf32, #tpu.memory_space<vmem>>, vector<1000x128xf32>,
    return
  }
  func.func @transform_0(%arg0: i32) -> (i32, i32) {
    %c0_i32 = arith.constant 0 : i32
    %c0_i32_0 = arith.constant 0 : i32
    return %arg0, %c0_i32 : i32, i32
  }
  func.func @transform_1(%arg0: i32) -> (i32, i32) {
    %c0_i32 = arith.constant 0 : i32
    %c0_i32_0 = arith.constant 0 : i32
    return %arg0, %c0_i32 : i32, i32
  }
  func.func @transform_2(%arg0: i32) -> (i32, i32) {
    %c0_i32 = arith.constant 0 : i32
    %c0_i32_0 = arith.constant 0 : i32
    return %arg0, %c0_i32 : i32, i32
  }
  func.func @transform_3(%arg0: i32) -> (i32, i32) {
    %c0_i32 = arith.constant 0 : i32
    %c0_i32_0 = arith.constant 0 : i32
    return %arg0, %c0_i32 : i32, i32
  }
  func.func @transform_4(%arg0: i32) -> (i32, i32) {
    %c0_i32 = arith.constant 0 : i32
    %c0_i32_0 = arith.constant 0 : i32
    return %arg0, %c0_i32 : i32, i32
  }
  func.func @transform_5(%arg0: i32) -> (i32, i32) {
    %c0_i32 = arith.constant 0 : i32
    %c0_i32_0 = arith.constant 0 : i32
    %c0_i32_1 = arith.constant 0 : i32
    return %c0_i32, %c0_i32_0 : i32, i32
  }
  func.func @transform_6(%arg0: i32) -> (i32, i32) {
    %c0_i32 = arith.constant 0 : i32
    %c0_i32_0 = arith.constant 0 : i32
    %c0_i32_1 = arith.constant 0 : i32
    return %c0_i32, %c0_i32_0 : i32, i32
  }
  func.func @transform_7(%arg0: i32) -> (i32, i32) {
    %c0_i32 = arith.constant 0 : i32
    %c0_i32_0 = arith.constant 0 : i32
    %c0_i32_1 = arith.constant 0 : i32
    return %c0_i32, %c0_i32_0 : i32, i32
  }
  func.func @transform_8(%arg0: i32) -> (i32, i32) {
    %c0_i32 = arith.constant 0 : i32
    %c0_i32_0 = arith.constant 0 : i32
    %c0_i32_1 = arith.constant 0 : i32
    return %c0_i32, %c0_i32_0 : i32, i32
  }
  func.func @transform_9(%arg0: i32) -> (i32, i32) {
    %c0_i32 = arith.constant 0 : i32
    %c0_i32_0 = arith.constant 0 : i32
    %c0_i32_1 = arith.constant 0 : i32
    return %c0_i32, %c0_i32_0 : i32, i32
  }
  func.func @transform_10(%arg0: i32) -> (i32, i32) {
    %c0_i32 = arith.constant 0 : i32
    %c0_i32_0 = arith.constant 0 : i32
    %c0_i32_1 = arith.constant 0 : i32
    return %c0_i32, %c0_i32_0 : i32, i32
  }
  func.func @transform_11(%arg0: i32) -> (i32, i32) {
    %c0_i32 = arith.constant 0 : i32
    %c0_i32_0 = arith.constant 0 : i32
    return %arg0, %c0_i32 : i32, i32
  }
  func.func @transform_12(%arg0: i32) -> (i32, i32) {
    %c0_i32 = arith.constant 0 : i32
    %c0_i32_0 = arith.constant 0 : i32
    return %arg0, %c0_i32 : i32, i32
  }
  func.func @transform_13(%arg0: i32) -> (i32, i32) {
    %c0_i32 = arith.constant 0 : i32
    %c0_i32_0 = arith.constant 0 : i32
    return %arg0, %c0_i32 : i32, i32
  }
}

module attributes {stable_mosaic.version = 14 : i64} {
  func.func @_fin_body(%arg0: i32, %arg1: memref<1000x128xf32, #tpu.memory_space<vmem>>, %arg2: memref<1000x128xf32, #tpu.memory_space<vmem>>, %arg3: memref<1000x128xf32, #tpu.memory_space<vmem>>, %arg4: memref<1000x128xf32, #tpu.memory_space<vmem>>, %arg5: memref<1000x256xf32, #tpu.memory_space<vmem>>, %arg6: memref<1000x1xi32, #tpu.memory_space<vmem>>, %arg7: memref<1x256xf32, #tpu.memory_space<vmem>>, %arg8: memref<256x256xf32, #tpu.memory_space<vmem>>, %arg9: memref<1x256xf32, #tpu.memory_space<vmem>>, %arg10: memref<1x256xf32, #tpu.memory_space<vmem>>, %arg11: memref<1x256xf32, #tpu.memory_space<vmem>>, %arg12: memref<1000x256xf32, #tpu.memory_space<vmem>>, %arg13: memref<16x256xf32, #tpu.memory_space<vmem>>) attributes {dimension_semantics = [#tpu.dimension_semantics<arbitrary>], iteration_bounds = array<i64: 10>, scalar_prefetch = 0 : i64, scratch_operands = 0 : i64, tpu.core_type = #tpu.core_type<tc>, window_params = [{transform_indices = @transform_0, window_bounds = array<i64: 1000, 128>}, {transform_indices = @transform_1, window_bounds = array<i64: 1000, 128>}, {transform_indices = @transform_2, window_bounds = array<i64: 1000, 128>}, {transform_indices = @transform_3, window_bounds = array<i64: 1000, 128>}, {transform_indices = @transform_4, window_bounds = array<i64: 1000, 256>}, {transform_indices = @transform_5, window_bounds = array<i64: 1000, 1>}, {pipeline_mode = #tpu.pipeline_mode<synchronous>, transform_indices = @transform_6, window_bounds = array<i64: 1, 256>}, {pipeline_mode = #tpu.pipeline_mode<synchronous>, transform_indices = @transform_7, window_bounds = array<i64: 256, 256>}, {pipeline_mode = #tpu.pipeline_mode<synchronous>, transform_indices = @transform_8, window_bounds = array<i64: 1, 256>}, {pipeline_mode = #tpu.pipeline_mode<synchronous>, transform_indices = @transform_9, window_bounds = array<i64: 1, 256>}, {pipeline_mode = #tpu.pipeline_mode<synchronous>, transform_indices = @transform_10, window_bounds = array<i64: 1, 256>}, {transform_indices = @transform_11, window_bounds = array<i64: 1000, 256>}, {pipeline_mode = #tpu.pipeline_mode<synchronous>, transform_indices = @transform_12, window_bounds = array<i64: 16, 256>}]} {
    %eq3A = arith.constant 0 : i32
    %eq3A_0 = arith.cmpi eq, %arg0, %eq3A : i32
    %convert_element_type3A = arith.extui %eq3A_0 : i1 to i32
    %cond3A = arith.constant 0 : i32
    %cond3A_1 = arith.cmpi ne, %convert_element_type3A, %cond3A : i32
    scf.if %cond3A_1 {
      %broadcast_in_dim3A_230 = arith.constant 0xFF800000 : f32
      %broadcast_in_dim3A_231 = vector.broadcast %broadcast_in_dim3A_230 : f32 to vector<16x256xf32>
      %swap3A_232 = arith.constant 0 : index
      %swap3A_233 = arith.constant 0 : index
      %swap3A_234 = vector.load %arg13[%swap3A_232, %swap3A_233] : memref<16x256xf32, #tpu.memory_space<vmem>>, vector<16x256xf32>
      tpu.vector_store %arg13[%swap3A_232, %swap3A_233], %broadcast_in_dim3A_231 {strides = array<i32>} : memref<16x256xf32, #tpu.memory_space<vmem>>, vector<16x256xf32>,
    } else {
    }
    %get3A = arith.constant 0 : index
    %get3A_2 = arith.constant 0 : index
    %get3A_3 = vector.load %arg1[%get3A, %get3A_2] : memref<1000x128xf32, #tpu.memory_space<vmem>>, vector<1000x128xf32>
    %get3A_4 = arith.constant 0 : index
    %get3A_5 = arith.constant 0 : index
    %get3A_6 = vector.load %arg2[%get3A_4, %get3A_5] : memref<1000x128xf32, #tpu.memory_space<vmem>>, vector<1000x128xf32>
    %add3A = arith.addf %get3A_3, %get3A_6 : vector<1000x128xf32>
    %get3A_7 = arith.constant 0 : index
    %get3A_8 = arith.constant 0 : index
    %get3A_9 = vector.load %arg3[%get3A_7, %get3A_8] : memref<1000x128xf32, #tpu.memory_space<vmem>>, vector<1000x128xf32>
    %get3A_10 = arith.constant 0 : index
    %get3A_11 = arith.constant 0 : index
    %get3A_12 = vector.load %arg4[%get3A_10, %get3A_11] : memref<1000x128xf32, #tpu.memory_space<vmem>>, vector<1000x128xf32>
    %add3A_13 = arith.addf %get3A_9, %get3A_12 : vector<1000x128xf32>
    %concatenate3A = tpu.concatenate %add3A, %add3A_13 in 1 : vector<1000x128xf32>, vector<1000x128xf32> -> vector<1000x256xf32>
    %get3A_14 = arith.constant 0 : index
    %get3A_15 = arith.constant 0 : index
    %get3A_16 = vector.load %arg7[%get3A_14, %get3A_15] : memref<1x256xf32, #tpu.memory_space<vmem>>, vector<1x256xf32>
    %add3A_17 = vector.broadcast %get3A_16 : vector<1x256xf32> to vector<1000x256xf32>
    %add3A_18 = arith.addf %concatenate3A, %add3A_17 : vector<1000x256xf32>
    %max3A = arith.constant 0.000000e+00 : f32
    %max3A_19 = vector.broadcast %max3A : f32 to vector<1000x256xf32>
    %max3A_20 = arith.maximumf %add3A_18, %max3A_19 : vector<1000x256xf32>
    %get3A_21 = arith.constant 0 : index
    %get3A_22 = arith.constant 0 : index
    %get3A_23 = vector.load %arg8[%get3A_21, %get3A_22] : memref<256x256xf32, #tpu.memory_space<vmem>>, vector<256x256xf32>
    %dot_general3A = arith.constant dense<0.000000e+00> : vector<1000x256xf32>
    %dot_general3A_24 = tpu.matmul %max3A_20, %get3A_23, %dot_general3A {dimension_numbers = #tpu.dot_dimension_numbers<[1], [0], [0], [1], [0, 0, 1, 1], [], []>, transpose_lhs_hint = false} : vector<1000x256xf32>, vector<256x256xf32>, vector<1000x256xf32> -> vector<1000x256xf32>
    %get3A_25 = arith.constant 0 : index
    %get3A_26 = arith.constant 0 : index
    %get3A_27 = vector.load %arg9[%get3A_25, %get3A_26] : memref<1x256xf32, #tpu.memory_space<vmem>>, vector<1x256xf32>
    %add3A_28 = vector.broadcast %get3A_27 : vector<1x256xf32> to vector<1000x256xf32>
    %add3A_29 = arith.addf %dot_general3A_24, %add3A_28 : vector<1000x256xf32>
    %get3A_30 = arith.constant 0 : index
    %get3A_31 = arith.constant 0 : index
    %get3A_32 = vector.load %arg5[%get3A_30, %get3A_31] : memref<1000x256xf32, #tpu.memory_space<vmem>>, vector<1000x256xf32>
    %max3A_33 = arith.constant 0.000000e+00 : f32
    %max3A_34 = vector.broadcast %max3A_33 : f32 to vector<1000x256xf32>
    %max3A_35 = arith.maximumf %add3A_29, %max3A_34 : vector<1000x256xf32>
    %add3A_36 = arith.addf %get3A_32, %max3A_35 : vector<1000x256xf32>
    %get3A_37 = arith.constant 0 : index
    %get3A_38 = arith.constant 0 : index
    %get3A_39 = vector.load %arg10[%get3A_37, %get3A_38] : memref<1x256xf32, #tpu.memory_space<vmem>>, vector<1x256xf32>
    %mul3A = vector.broadcast %get3A_39 : vector<1x256xf32> to vector<1000x256xf32>
    %mul3A_40 = arith.mulf %add3A_36, %mul3A : vector<1000x256xf32>
    %get3A_41 = arith.constant 0 : index
    %get3A_42 = arith.constant 0 : index
    %get3A_43 = vector.load %arg11[%get3A_41, %get3A_42] : memref<1x256xf32, #tpu.memory_space<vmem>>, vector<1x256xf32>
    %add3A_44 = vector.broadcast %get3A_43 : vector<1x256xf32> to vector<1000x256xf32>
    %add3A_45 = arith.addf %mul3A_40, %add3A_44 : vector<1000x256xf32>
    %swap3A = arith.constant 0 : index
    %swap3A_46 = arith.constant 0 : index
    %swap3A_47 = vector.load %arg12[%swap3A, %swap3A_46] : memref<1000x256xf32, #tpu.memory_space<vmem>>, vector<1000x256xf32>
    tpu.vector_store %arg12[%swap3A, %swap3A_46], %add3A_45 {strides = array<i32>} : memref<1000x256xf32, #tpu.memory_space<vmem>>, vector<1000x256xf32>,
    %get3A_48 = arith.constant 0 : index
    %get3A_49 = arith.constant 0 : index
    %get3A_50 = vector.load %arg6[%get3A_48, %get3A_49] : memref<1000x1xi32, #tpu.memory_space<vmem>>, vector<1000x1xi32>
    %eq3A_51 = arith.constant 0 : i32
    %eq3A_52 = vector.broadcast %eq3A_51 : i32 to vector<1000x1xi32>
    %eq3A_53 = arith.cmpi eq, %get3A_50, %eq3A_52 : vector<1000x1xi32>
    %jit3A = arith.constant 0xFF800000 : f32
    %broadcast_in_dim3A = vector.shape_cast %eq3A_53 : vector<1000x1xi1> to vector<1000x1xi1>
    %broadcast_in_dim3A_54 = vector.broadcast %broadcast_in_dim3A : vector<1000x1xi1> to vector<1000x256xi1>
    %broadcast_in_dim3A_55 = vector.broadcast %jit3A : f32 to vector<1000x256xf32>
    %select_n3A = arith.select %broadcast_in_dim3A_54, %add3A_45, %broadcast_in_dim3A_55 : vector<1000x256xi1>, vector<1000x256xf32>
    %reduce_max3A = arith.constant dense<0xFF800000> : vector<256xf32>
    %reduce_max3A_56 = vector.multi_reduction <maximumf>, %select_n3A, %reduce_max3A [0] : vector<1000x256xf32> to vector<256xf32>
    %eq3A_57 = arith.constant 1 : i32
    %eq3A_58 = vector.broadcast %eq3A_57 : i32 to vector<1000x1xi32>
    %eq3A_59 = arith.cmpi eq, %get3A_50, %eq3A_58 : vector<1000x1xi32>
    %jit3A_60 = arith.constant 0xFF800000 : f32
    %broadcast_in_dim3A_61 = vector.shape_cast %eq3A_59 : vector<1000x1xi1> to vector<1000x1xi1>
    %broadcast_in_dim3A_62 = vector.broadcast %broadcast_in_dim3A_61 : vector<1000x1xi1> to vector<1000x256xi1>
    %broadcast_in_dim3A_63 = vector.broadcast %jit3A_60 : f32 to vector<1000x256xf32>
    %select_n3A_64 = arith.select %broadcast_in_dim3A_62, %add3A_45, %broadcast_in_dim3A_63 : vector<1000x256xi1>, vector<1000x256xf32>
    %reduce_max3A_65 = arith.constant dense<0xFF800000> : vector<256xf32>
    %reduce_max3A_66 = vector.multi_reduction <maximumf>, %select_n3A_64, %reduce_max3A_65 [0] : vector<1000x256xf32> to vector<256xf32>
    %eq3A_67 = arith.constant 2 : i32
    %eq3A_68 = vector.broadcast %eq3A_67 : i32 to vector<1000x1xi32>
    %eq3A_69 = arith.cmpi eq, %get3A_50, %eq3A_68 : vector<1000x1xi32>
    %jit3A_70 = arith.constant 0xFF800000 : f32
    %broadcast_in_dim3A_71 = vector.shape_cast %eq3A_69 : vector<1000x1xi1> to vector<1000x1xi1>
    %broadcast_in_dim3A_72 = vector.broadcast %broadcast_in_dim3A_71 : vector<1000x1xi1> to vector<1000x256xi1>
    %broadcast_in_dim3A_73 = vector.broadcast %jit3A_70 : f32 to vector<1000x256xf32>
    %select_n3A_74 = arith.select %broadcast_in_dim3A_72, %add3A_45, %broadcast_in_dim3A_73 : vector<1000x256xi1>, vector<1000x256xf32>
    %reduce_max3A_75 = arith.constant dense<0xFF800000> : vector<256xf32>
    %reduce_max3A_76 = vector.multi_reduction <maximumf>, %select_n3A_74, %reduce_max3A_75 [0] : vector<1000x256xf32> to vector<256xf32>
    %eq3A_77 = arith.constant 3 : i32
    %eq3A_78 = vector.broadcast %eq3A_77 : i32 to vector<1000x1xi32>
    %eq3A_79 = arith.cmpi eq, %get3A_50, %eq3A_78 : vector<1000x1xi32>
    %jit3A_80 = arith.constant 0xFF800000 : f32
    %broadcast_in_dim3A_81 = vector.shape_cast %eq3A_79 : vector<1000x1xi1> to vector<1000x1xi1>
    %broadcast_in_dim3A_82 = vector.broadcast %broadcast_in_dim3A_81 : vector<1000x1xi1> to vector<1000x256xi1>
    %broadcast_in_dim3A_83 = vector.broadcast %jit3A_80 : f32 to vector<1000x256xf32>
    %select_n3A_84 = arith.select %broadcast_in_dim3A_82, %add3A_45, %broadcast_in_dim3A_83 : vector<1000x256xi1>, vector<1000x256xf32>
    %reduce_max3A_85 = arith.constant dense<0xFF800000> : vector<256xf32>
    %reduce_max3A_86 = vector.multi_reduction <maximumf>, %select_n3A_84, %reduce_max3A_85 [0] : vector<1000x256xf32> to vector<256xf32>
    %eq3A_87 = arith.constant 4 : i32
    %eq3A_88 = vector.broadcast %eq3A_87 : i32 to vector<1000x1xi32>
    %eq3A_89 = arith.cmpi eq, %get3A_50, %eq3A_88 : vector<1000x1xi32>
    %jit3A_90 = arith.constant 0xFF800000 : f32
    %broadcast_in_dim3A_91 = vector.shape_cast %eq3A_89 : vector<1000x1xi1> to vector<1000x1xi1>
    %broadcast_in_dim3A_92 = vector.broadcast %broadcast_in_dim3A_91 : vector<1000x1xi1> to vector<1000x256xi1>
    %broadcast_in_dim3A_93 = vector.broadcast %jit3A_90 : f32 to vector<1000x256xf32>
    %select_n3A_94 = arith.select %broadcast_in_dim3A_92, %add3A_45, %broadcast_in_dim3A_93 : vector<1000x256xi1>, vector<1000x256xf32>
    %reduce_max3A_95 = arith.constant dense<0xFF800000> : vector<256xf32>
    %reduce_max3A_96 = vector.multi_reduction <maximumf>, %select_n3A_94, %reduce_max3A_95 [0] : vector<1000x256xf32> to vector<256xf32>
    %eq3A_97 = arith.constant 5 : i32
    %eq3A_98 = vector.broadcast %eq3A_97 : i32 to vector<1000x1xi32>
    %eq3A_99 = arith.cmpi eq, %get3A_50, %eq3A_98 : vector<1000x1xi32>
    %jit3A_100 = arith.constant 0xFF800000 : f32
    %broadcast_in_dim3A_101 = vector.shape_cast %eq3A_99 : vector<1000x1xi1> to vector<1000x1xi1>
    %broadcast_in_dim3A_102 = vector.broadcast %broadcast_in_dim3A_101 : vector<1000x1xi1> to vector<1000x256xi1>
    %broadcast_in_dim3A_103 = vector.broadcast %jit3A_100 : f32 to vector<1000x256xf32>
    %select_n3A_104 = arith.select %broadcast_in_dim3A_102, %add3A_45, %broadcast_in_dim3A_103 : vector<1000x256xi1>, vector<1000x256xf32>
    %reduce_max3A_105 = arith.constant dense<0xFF800000> : vector<256xf32>
    %reduce_max3A_106 = vector.multi_reduction <maximumf>, %select_n3A_104, %reduce_max3A_105 [0] : vector<1000x256xf32> to vector<256xf32>
    %eq3A_107 = arith.constant 6 : i32
    %eq3A_108 = vector.broadcast %eq3A_107 : i32 to vector<1000x1xi32>
    %eq3A_109 = arith.cmpi eq, %get3A_50, %eq3A_108 : vector<1000x1xi32>
    %jit3A_110 = arith.constant 0xFF800000 : f32
    %broadcast_in_dim3A_111 = vector.shape_cast %eq3A_109 : vector<1000x1xi1> to vector<1000x1xi1>
    %broadcast_in_dim3A_112 = vector.broadcast %broadcast_in_dim3A_111 : vector<1000x1xi1> to vector<1000x256xi1>
    %broadcast_in_dim3A_113 = vector.broadcast %jit3A_110 : f32 to vector<1000x256xf32>
    %select_n3A_114 = arith.select %broadcast_in_dim3A_112, %add3A_45, %broadcast_in_dim3A_113 : vector<1000x256xi1>, vector<1000x256xf32>
    %reduce_max3A_115 = arith.constant dense<0xFF800000> : vector<256xf32>
    %reduce_max3A_116 = vector.multi_reduction <maximumf>, %select_n3A_114, %reduce_max3A_115 [0] : vector<1000x256xf32> to vector<256xf32>
    %eq3A_117 = arith.constant 7 : i32
    %eq3A_118 = vector.broadcast %eq3A_117 : i32 to vector<1000x1xi32>
    %eq3A_119 = arith.cmpi eq, %get3A_50, %eq3A_118 : vector<1000x1xi32>
    %jit3A_120 = arith.constant 0xFF800000 : f32
    %broadcast_in_dim3A_121 = vector.shape_cast %eq3A_119 : vector<1000x1xi1> to vector<1000x1xi1>
    %broadcast_in_dim3A_122 = vector.broadcast %broadcast_in_dim3A_121 : vector<1000x1xi1> to vector<1000x256xi1>
    %broadcast_in_dim3A_123 = vector.broadcast %jit3A_120 : f32 to vector<1000x256xf32>
    %select_n3A_124 = arith.select %broadcast_in_dim3A_122, %add3A_45, %broadcast_in_dim3A_123 : vector<1000x256xi1>, vector<1000x256xf32>
    %reduce_max3A_125 = arith.constant dense<0xFF800000> : vector<256xf32>
    %reduce_max3A_126 = vector.multi_reduction <maximumf>, %select_n3A_124, %reduce_max3A_125 [0] : vector<1000x256xf32> to vector<256xf32>
    %eq3A_127 = arith.constant 8 : i32
    %eq3A_128 = vector.broadcast %eq3A_127 : i32 to vector<1000x1xi32>
    %eq3A_129 = arith.cmpi eq, %get3A_50, %eq3A_128 : vector<1000x1xi32>
    %jit3A_130 = arith.constant 0xFF800000 : f32
    %broadcast_in_dim3A_131 = vector.shape_cast %eq3A_129 : vector<1000x1xi1> to vector<1000x1xi1>
    %broadcast_in_dim3A_132 = vector.broadcast %broadcast_in_dim3A_131 : vector<1000x1xi1> to vector<1000x256xi1>
    %broadcast_in_dim3A_133 = vector.broadcast %jit3A_130 : f32 to vector<1000x256xf32>
    %select_n3A_134 = arith.select %broadcast_in_dim3A_132, %add3A_45, %broadcast_in_dim3A_133 : vector<1000x256xi1>, vector<1000x256xf32>
    %reduce_max3A_135 = arith.constant dense<0xFF800000> : vector<256xf32>
    %reduce_max3A_136 = vector.multi_reduction <maximumf>, %select_n3A_134, %reduce_max3A_135 [0] : vector<1000x256xf32> to vector<256xf32>
    %eq3A_137 = arith.constant 9 : i32
    %eq3A_138 = vector.broadcast %eq3A_137 : i32 to vector<1000x1xi32>
    %eq3A_139 = arith.cmpi eq, %get3A_50, %eq3A_138 : vector<1000x1xi32>
    %jit3A_140 = arith.constant 0xFF800000 : f32
    %broadcast_in_dim3A_141 = vector.shape_cast %eq3A_139 : vector<1000x1xi1> to vector<1000x1xi1>
    %broadcast_in_dim3A_142 = vector.broadcast %broadcast_in_dim3A_141 : vector<1000x1xi1> to vector<1000x256xi1>
    %broadcast_in_dim3A_143 = vector.broadcast %jit3A_140 : f32 to vector<1000x256xf32>
    %select_n3A_144 = arith.select %broadcast_in_dim3A_142, %add3A_45, %broadcast_in_dim3A_143 : vector<1000x256xi1>, vector<1000x256xf32>
    %reduce_max3A_145 = arith.constant dense<0xFF800000> : vector<256xf32>
    %reduce_max3A_146 = vector.multi_reduction <maximumf>, %select_n3A_144, %reduce_max3A_145 [0] : vector<1000x256xf32> to vector<256xf32>
    %eq3A_147 = arith.constant 10 : i32
    %eq3A_148 = vector.broadcast %eq3A_147 : i32 to vector<1000x1xi32>
    %eq3A_149 = arith.cmpi eq, %get3A_50, %eq3A_148 : vector<1000x1xi32>
    %jit3A_150 = arith.constant 0xFF800000 : f32
    %broadcast_in_dim3A_151 = vector.shape_cast %eq3A_149 : vector<1000x1xi1> to vector<1000x1xi1>
    %broadcast_in_dim3A_152 = vector.broadcast %broadcast_in_dim3A_151 : vector<1000x1xi1> to vector<1000x256xi1>
    %broadcast_in_dim3A_153 = vector.broadcast %jit3A_150 : f32 to vector<1000x256xf32>
    %select_n3A_154 = arith.select %broadcast_in_dim3A_152, %add3A_45, %broadcast_in_dim3A_153 : vector<1000x256xi1>, vector<1000x256xf32>
    %reduce_max3A_155 = arith.constant dense<0xFF800000> : vector<256xf32>
    %reduce_max3A_156 = vector.multi_reduction <maximumf>, %select_n3A_154, %reduce_max3A_155 [0] : vector<1000x256xf32> to vector<256xf32>
    %eq3A_157 = arith.constant 11 : i32
    %eq3A_158 = vector.broadcast %eq3A_157 : i32 to vector<1000x1xi32>
    %eq3A_159 = arith.cmpi eq, %get3A_50, %eq3A_158 : vector<1000x1xi32>
    %jit3A_160 = arith.constant 0xFF800000 : f32
    %broadcast_in_dim3A_161 = vector.shape_cast %eq3A_159 : vector<1000x1xi1> to vector<1000x1xi1>
    %broadcast_in_dim3A_162 = vector.broadcast %broadcast_in_dim3A_161 : vector<1000x1xi1> to vector<1000x256xi1>
    %broadcast_in_dim3A_163 = vector.broadcast %jit3A_160 : f32 to vector<1000x256xf32>
    %select_n3A_164 = arith.select %broadcast_in_dim3A_162, %add3A_45, %broadcast_in_dim3A_163 : vector<1000x256xi1>, vector<1000x256xf32>
    %reduce_max3A_165 = arith.constant dense<0xFF800000> : vector<256xf32>
    %reduce_max3A_166 = vector.multi_reduction <maximumf>, %select_n3A_164, %reduce_max3A_165 [0] : vector<1000x256xf32> to vector<256xf32>
    %eq3A_167 = arith.constant 12 : i32
    %eq3A_168 = vector.broadcast %eq3A_167 : i32 to vector<1000x1xi32>
    %eq3A_169 = arith.cmpi eq, %get3A_50, %eq3A_168 : vector<1000x1xi32>
    %jit3A_170 = arith.constant 0xFF800000 : f32
    %broadcast_in_dim3A_171 = vector.shape_cast %eq3A_169 : vector<1000x1xi1> to vector<1000x1xi1>
    %broadcast_in_dim3A_172 = vector.broadcast %broadcast_in_dim3A_171 : vector<1000x1xi1> to vector<1000x256xi1>
    %broadcast_in_dim3A_173 = vector.broadcast %jit3A_170 : f32 to vector<1000x256xf32>
    %select_n3A_174 = arith.select %broadcast_in_dim3A_172, %add3A_45, %broadcast_in_dim3A_173 : vector<1000x256xi1>, vector<1000x256xf32>
    %reduce_max3A_175 = arith.constant dense<0xFF800000> : vector<256xf32>
    %reduce_max3A_176 = vector.multi_reduction <maximumf>, %select_n3A_174, %reduce_max3A_175 [0] : vector<1000x256xf32> to vector<256xf32>
    %eq3A_177 = arith.constant 13 : i32
    %eq3A_178 = vector.broadcast %eq3A_177 : i32 to vector<1000x1xi32>
    %eq3A_179 = arith.cmpi eq, %get3A_50, %eq3A_178 : vector<1000x1xi32>
    %jit3A_180 = arith.constant 0xFF800000 : f32
    %broadcast_in_dim3A_181 = vector.shape_cast %eq3A_179 : vector<1000x1xi1> to vector<1000x1xi1>
    %broadcast_in_dim3A_182 = vector.broadcast %broadcast_in_dim3A_181 : vector<1000x1xi1> to vector<1000x256xi1>
    %broadcast_in_dim3A_183 = vector.broadcast %jit3A_180 : f32 to vector<1000x256xf32>
    %select_n3A_184 = arith.select %broadcast_in_dim3A_182, %add3A_45, %broadcast_in_dim3A_183 : vector<1000x256xi1>, vector<1000x256xf32>
    %reduce_max3A_185 = arith.constant dense<0xFF800000> : vector<256xf32>
    %reduce_max3A_186 = vector.multi_reduction <maximumf>, %select_n3A_184, %reduce_max3A_185 [0] : vector<1000x256xf32> to vector<256xf32>
    %eq3A_187 = arith.constant 14 : i32
    %eq3A_188 = vector.broadcast %eq3A_187 : i32 to vector<1000x1xi32>
    %eq3A_189 = arith.cmpi eq, %get3A_50, %eq3A_188 : vector<1000x1xi32>
    %jit3A_190 = arith.constant 0xFF800000 : f32
    %broadcast_in_dim3A_191 = vector.shape_cast %eq3A_189 : vector<1000x1xi1> to vector<1000x1xi1>
    %broadcast_in_dim3A_192 = vector.broadcast %broadcast_in_dim3A_191 : vector<1000x1xi1> to vector<1000x256xi1>
    %broadcast_in_dim3A_193 = vector.broadcast %jit3A_190 : f32 to vector<1000x256xf32>
    %select_n3A_194 = arith.select %broadcast_in_dim3A_192, %add3A_45, %broadcast_in_dim3A_193 : vector<1000x256xi1>, vector<1000x256xf32>
    %reduce_max3A_195 = arith.constant dense<0xFF800000> : vector<256xf32>
    %reduce_max3A_196 = vector.multi_reduction <maximumf>, %select_n3A_194, %reduce_max3A_195 [0] : vector<1000x256xf32> to vector<256xf32>
    %eq3A_197 = arith.constant 15 : i32
    %eq3A_198 = vector.broadcast %eq3A_197 : i32 to vector<1000x1xi32>
    %eq3A_199 = arith.cmpi eq, %get3A_50, %eq3A_198 : vector<1000x1xi32>
    %jit3A_200 = arith.constant 0xFF800000 : f32
    %broadcast_in_dim3A_201 = vector.shape_cast %eq3A_199 : vector<1000x1xi1> to vector<1000x1xi1>
    %broadcast_in_dim3A_202 = vector.broadcast %broadcast_in_dim3A_201 : vector<1000x1xi1> to vector<1000x256xi1>
    %broadcast_in_dim3A_203 = vector.broadcast %jit3A_200 : f32 to vector<1000x256xf32>
    %select_n3A_204 = arith.select %broadcast_in_dim3A_202, %add3A_45, %broadcast_in_dim3A_203 : vector<1000x256xi1>, vector<1000x256xf32>
    %reduce_max3A_205 = arith.constant dense<0xFF800000> : vector<256xf32>
    %reduce_max3A_206 = vector.multi_reduction <maximumf>, %select_n3A_204, %reduce_max3A_205 [0] : vector<1000x256xf32> to vector<256xf32>
    %get3A_207 = arith.constant 0 : index
    %get3A_208 = arith.constant 0 : index
    %get3A_209 = vector.load %arg13[%get3A_207, %get3A_208] : memref<16x256xf32, #tpu.memory_space<vmem>>, vector<16x256xf32>
    %stack3A = vector.shape_cast %reduce_max3A_56 : vector<256xf32> to vector<1x256xf32>
    %stack3A_210 = vector.shape_cast %reduce_max3A_66 : vector<256xf32> to vector<1x256xf32>
    %stack3A_211 = vector.shape_cast %reduce_max3A_76 : vector<256xf32> to vector<1x256xf32>
    %stack3A_212 = vector.shape_cast %reduce_max3A_86 : vector<256xf32> to vector<1x256xf32>
    %stack3A_213 = vector.shape_cast %reduce_max3A_96 : vector<256xf32> to vector<1x256xf32>
    %stack3A_214 = vector.shape_cast %reduce_max3A_106 : vector<256xf32> to vector<1x256xf32>
    %stack3A_215 = vector.shape_cast %reduce_max3A_116 : vector<256xf32> to vector<1x256xf32>
    %stack3A_216 = vector.shape_cast %reduce_max3A_126 : vector<256xf32> to vector<1x256xf32>
    %stack3A_217 = vector.shape_cast %reduce_max3A_136 : vector<256xf32> to vector<1x256xf32>
    %stack3A_218 = vector.shape_cast %reduce_max3A_146 : vector<256xf32> to vector<1x256xf32>
    %stack3A_219 = vector.shape_cast %reduce_max3A_156 : vector<256xf32> to vector<1x256xf32>
    %stack3A_220 = vector.shape_cast %reduce_max3A_166 : vector<256xf32> to vector<1x256xf32>
    %stack3A_221 = vector.shape_cast %reduce_max3A_176 : vector<256xf32> to vector<1x256xf32>
    %stack3A_222 = vector.shape_cast %reduce_max3A_186 : vector<256xf32> to vector<1x256xf32>
    %stack3A_223 = vector.shape_cast %reduce_max3A_196 : vector<256xf32> to vector<1x256xf32>
    %stack3A_224 = vector.shape_cast %reduce_max3A_206 : vector<256xf32> to vector<1x256xf32>
    %stack3A_225 = tpu.concatenate %stack3A, %stack3A_210, %stack3A_211, %stack3A_212, %stack3A_213, %stack3A_214, %stack3A_215, %stack3A_216, %stack3A_217, %stack3A_218, %stack3A_219, %stack3A_220, %stack3A_221, %stack3A_222, %stack3A_223, %stack3A_224 in 0 : vector<1x256xf32>, vector<1x256xf32>, vector<1x256xf32>, vector<1x256xf32>, vector<1x256xf32>, vector<1x256xf32>, vector<1x256xf32>, vector<1x256xf32>, vector<1x256xf32>, vector<1x256xf32>, vector<1x256xf32>, vector<1x256xf32>, vector<1x256xf32>, vector<1x256xf32>, vector<1x256xf32>, vector<1x256xf32> -> vector<16x256xf32>
    %max3A_226 = arith.maximumf %get3A_209, %stack3A_225 : vector<16x256xf32>
    %swap3A_227 = arith.constant 0 : index
    %swap3A_228 = arith.constant 0 : index
    %swap3A_229 = vector.load %arg13[%swap3A_227, %swap3A_228] : memref<16x256xf32, #tpu.memory_space<vmem>>, vector<16x256xf32>
    tpu.vector_store %arg13[%swap3A_227, %swap3A_228], %max3A_226 {strides = array<i32>} : memref<16x256xf32, #tpu.memory_space<vmem>>, vector<16x256xf32>,
    return
  }
  func.func @transform_0(%arg0: i32) -> (i32, i32) {
    %c0_i32 = arith.constant 0 : i32
    %c0_i32_0 = arith.constant 0 : i32
    return %arg0, %c0_i32 : i32, i32
  }
  func.func @transform_1(%arg0: i32) -> (i32, i32) {
    %c0_i32 = arith.constant 0 : i32
    %c0_i32_0 = arith.constant 0 : i32
    return %arg0, %c0_i32 : i32, i32
  }
  func.func @transform_2(%arg0: i32) -> (i32, i32) {
    %c0_i32 = arith.constant 0 : i32
    %c0_i32_0 = arith.constant 0 : i32
    return %arg0, %c0_i32 : i32, i32
  }
  func.func @transform_3(%arg0: i32) -> (i32, i32) {
    %c0_i32 = arith.constant 0 : i32
    %c0_i32_0 = arith.constant 0 : i32
    return %arg0, %c0_i32 : i32, i32
  }
  func.func @transform_4(%arg0: i32) -> (i32, i32) {
    %c0_i32 = arith.constant 0 : i32
    %c0_i32_0 = arith.constant 0 : i32
    return %arg0, %c0_i32 : i32, i32
  }
  func.func @transform_5(%arg0: i32) -> (i32, i32) {
    %c0_i32 = arith.constant 0 : i32
    %c0_i32_0 = arith.constant 0 : i32
    return %arg0, %c0_i32 : i32, i32
  }
  func.func @transform_6(%arg0: i32) -> (i32, i32) {
    %c0_i32 = arith.constant 0 : i32
    %c0_i32_0 = arith.constant 0 : i32
    %c0_i32_1 = arith.constant 0 : i32
    return %c0_i32, %c0_i32_0 : i32, i32
  }
  func.func @transform_7(%arg0: i32) -> (i32, i32) {
    %c0_i32 = arith.constant 0 : i32
    %c0_i32_0 = arith.constant 0 : i32
    %c0_i32_1 = arith.constant 0 : i32
    return %c0_i32, %c0_i32_0 : i32, i32
  }
  func.func @transform_8(%arg0: i32) -> (i32, i32) {
    %c0_i32 = arith.constant 0 : i32
    %c0_i32_0 = arith.constant 0 : i32
    %c0_i32_1 = arith.constant 0 : i32
    return %c0_i32, %c0_i32_0 : i32, i32
  }
  func.func @transform_9(%arg0: i32) -> (i32, i32) {
    %c0_i32 = arith.constant 0 : i32
    %c0_i32_0 = arith.constant 0 : i32
    %c0_i32_1 = arith.constant 0 : i32
    return %c0_i32, %c0_i32_0 : i32, i32
  }
  func.func @transform_10(%arg0: i32) -> (i32, i32) {
    %c0_i32 = arith.constant 0 : i32
    %c0_i32_0 = arith.constant 0 : i32
    %c0_i32_1 = arith.constant 0 : i32
    return %c0_i32, %c0_i32_0 : i32, i32
  }
  func.func @transform_11(%arg0: i32) -> (i32, i32) {
    %c0_i32 = arith.constant 0 : i32
    %c0_i32_0 = arith.constant 0 : i32
    return %arg0, %c0_i32 : i32, i32
  }
  func.func @transform_12(%arg0: i32) -> (i32, i32) {
    %c0_i32 = arith.constant 0 : i32
    %c0_i32_0 = arith.constant 0 : i32
    %c0_i32_1 = arith.constant 0 : i32
    return %c0_i32, %c0_i32_0 : i32, i32
  }
}

</mosaic_0001>

<sc_bundles>
// kernel: kernel.12.cloned.1.call-start
scs
__scs_entry_jumppad:
0x0: {  	(pc) =	sbr.rel $0x88, $3  }
0x1: {  	(tag) =	ssettag $0x0;
	lr =	simm.s32 $0x1  }
0x2: {  	[smem:$0x3F8C] =	sst lr;
	_ =	strace $0xD0000000  }
0x3: {  	_ = 	snop  }
0x4: {  	_ = 	snop  }
0x5: {  	_ = 	snop  }
0x6: {  	_ = 	snop  }
0x7: {  	_ = 	snop  }
__scs_overlays_trampoline_lowered:
0x8: {  	[smem:$0x3F9B] =	sst s0  }
0x9: {  	[smem:$0x3F9C] =	sst s1  }
0xa: {  	[smem:$0x3F9D] =	sst s2  }
0xb: {  	[smem:$0x3F9E] =	sst s3  }
0xc: {  	[smem:$0x3F9F] =	sst s4  }
0xd: {  	[smem:$0x3FA0] =	sst s5  }
0xe: {  	[smem:$0x3FA1] =	sst s6  }
0xf: {  	[smem:$0x3FA2] =	sst s7  }
0x10: {  	[smem:$0x3FA3] =	sst s8  }
0x11: {  	[smem:$0x3FA4] =	sst s9;
	s0 =	simm.s32 @!p0 $0x0  }
0x12: {  	s1 =	sld [smem:$0x3F8A];
	s0 =	simm.s32 @p0 $0x1  }
0x13: {  	[smem:$0x3FA5] =	sst s0;
	s0 =	simm.s32 @!p1 $0x0  }
0x14: {  	s2 =	sld [smem:$0x3F89];
	s0 =	simm.s32 @p1 $0x1  }
0x15: {  	[smem:$0x3FA6] =	sst s0;
	s0 =	simm.s32 @!p2 $0x0  }
0x16: {  	s3 =	sld [smem:$0x3FDB];
	s0 =	simm.s32 @p2 $0x1  }
0x17: {  	s4 =	simm.s32 $0x1BF5;
	[smem:$0x3FA8] =	sst s0  }
0x18: {  	s0 =	sld [smem:$0x3F8B];
	_ =	swait.ge [sflag:s4], $0x0  }
0x19: {  	s7 =	sld [smem:$0x3F8C]  }
0x1a: {  	s8 =	sadd.s32 $0xFFFFE003, lr  }
0x1b: {  	s9 =	sadd.s32 $0xFFFFFEF7, lr;
	s5 =	simm.s32 $0xFFFFFFFF;
	p2 =	slt.u32 s8, $0xFFFFF086  }
0x1c: {  	p1 =	slt.u32 s9, $0xF7A;
	s5 =	simm.s32 @!p2 $0x0  }
0x1d: {  	s5 =	simm.s32 @p1 $0x1;
	p0 =	seq.s32 s7, s2  }
0x1e: {  	s7 =	smul.u32 @!p0 $0xF7A, s2;
	p2 =	seq.s32 @!p0 s5, $0x0  }
0x1f: {  	s9 =	smul.u32 $0xF7A, s1;
	s8 =	simm.s32 @!p0 $0x1BF5;
	p2 =	por !p2, p0  }
0x20: {  	[sflag:s8] =	ssyncset.s32 @!p0 $0xFFFFF086;
	s6 =	sadd.s32 @!p0 s3, s7;
	s7 =	simm.s32 @!p0 $0x108  }
0x21: {  	s3 =	sadd.s32 s3, s9;
	s6 =	sadd.s32 @!p0 $0x88, s6;
	s7 =	simm.s32 @p2 $0x1082  }
0x22: {  	[simem:s7], [sflag:s8] =	dma.local @!p0 [hbm:s6], $0xF7A  }
0x23: {  	s9 =	sor.u32 $0xD0000000, s2;
	s6 =	simm.s32 $0x108;
	_ =	swait.ge @!p0 [sflag:s8], $0x0  }
0x24: {  	s3 =	sadd.s32 $0x88, s3;
	s6 =	simm.s32 @!p1 $0x1082;
	[sflag:s4] =	ssyncset.s32 $0xFFFFF086  }
0x25: {  	[simem:s6], [sflag:s4] =	dma.local [hbm:s3], $0xF7A  }
0x26: {  	[smem:$0x3F8C] =	sst s1;
	(tag) =	ssettag s2;
	_ =	strace s9  }
0x27: {  	s1 =	sld [smem:$0x3F9C]  }
0x28: {  	s2 =	sld [smem:$0x3F9D]  }
0x29: {  	s4 =	sld [smem:$0x3F9F]  }
0x2a: {  	p0 =	seq.s32 s5, $0x0;
	s5 =	sld [smem:$0x3FA0]  }
0x2b: {  	s6 =	sld [smem:$0x3FA1]  }
0x2c: {  	s7 =	sld [smem:$0x3FA2]  }
0x2d: {  	s3 =	simm.s32 $0x108;
	s8 =	sld [smem:$0x3FA3]  }
0x2e: {  	s3 =	simm.s32 @!p0 $0x1082;
	s9 =	sld [smem:$0x3FA4]  }
0x2f: {  	lr =	sadd.s32 s0, s3;
	s0 =	sld [smem:$0x3F9B]  }
0x30: {  	s3 =	sld [smem:$0x3F9E]  }
0x31: {  	[smem:$0x3FA7] =	sst s10  }
0x32: {  	s10 =	sld [smem:$0x3FA5];
	_ =	sdelay $0x3  }
0x33: {  	p0 =	seq.s32 s10, $0x1;
	s10 =	sld [smem:$0x3FA7];
	_ =	sdelay $0x3  }
0x34: {  	[smem:$0x3FA7] =	sst s10  }
0x35: {  	s10 =	sld [smem:$0x3FA6];
	_ =	sdelay $0x3  }
0x36: {  	p1 =	seq.s32 s10, $0x1;
	s10 =	sld [smem:$0x3FA7];
	_ =	sdelay $0x3  }
0x37: {  	[smem:$0x3FA7] =	sst s10  }
0x38: {  	s10 =	sld [smem:$0x3FA8]  }
0x39: {  	_ = 	snop;
	(pc) =	sbr.ind lr, $3  }
0x3a: {  	_ = 	snop  }
0x3b: {  	_ = 	snop  }
0x3c: {  	p2 =	seq.s32 s10, $0x1;
	s10 =	sld [smem:$0x3FA7]  }
0x3d: {  	_ =	shalt  }
0x3e: {  	_ =	shalt  }
0x3f: {  	_ =	shalt  }
0x40: {  	_ =	shalt  }
0x41: {  	_ =	shalt  }
0x42: {  	_ =	shalt  }
0x43: {  	_ =	shalt  }
0x44: {  	_ =	shalt  }
0x45: {  	_ =	shalt  }
0x46: {  	_ =	shalt  }
0x47: {  	_ =	shalt  }
0x48: {  	_ =	shalt  }
0x49: {  	_ =	shalt  }
0x4a: {  	_ =	shalt  }
0x4b: {  	_ =	shalt  }
0x4c: {  	_ =	shalt  }
0x4d: {  	_ =	shalt  }
0x4e: {  	_ =	shalt  }
0x4f: {  	_ =	shalt  }
0x50: {  	_ =	shalt  }
0x51: {  	_ =	shalt  }
0x52: {  	_ =	shalt  }
0x53: {  	_ =	shalt  }
0x54: {  	_ =	shalt  }
0x55: {  	_ =	shalt  }
0x56: {  	_ =	shalt  }
0x57: {  	_ =	shalt  }
0x58: {  	_ =	shalt  }
0x59: {  	_ =	shalt  }
0x5a: {  	_ =	shalt  }
0x5b: {  	_ =	shalt  }
0x5c: {  	_ =	shalt  }
0x5d: {  	_ =	shalt  }
0x5e: {  	_ =	shalt  }
0x5f: {  	_ =	shalt  }
0x60: {  	_ =	shalt  }
0x61: {  	_ =	shalt  }
0x62: {  	_ =	shalt  }
0x63: {  	_ =	shalt  }
0x64: {  	_ =	shalt  }
0x65: {  	_ =	shalt  }
0x66: {  	_ =	shalt  }
0x67: {  	_ =	shalt  }
0x68: {  	_ =	shalt  }
0x69: {  	_ =	shalt  }
0x6a: {  	_ =	shalt  }
0x6b: {  	_ =	shalt  }
0x6c: {  	_ =	shalt  }
0x6d: {  	_ =	shalt  }
0x6e: {  	_ =	shalt  }
0x6f: {  	_ =	shalt  }
0x70: {  	_ =	shalt  }
0x71: {  	_ =	shalt  }
0x72: {  	_ =	shalt  }
0x73: {  	_ =	shalt  }
0x74: {  	_ =	shalt  }
0x75: {  	_ =	shalt  }
0x76: {  	_ =	shalt  }
0x77: {  	_ =	shalt  }
0x78: {  	_ =	shalt  }
0x79: {  	_ =	shalt  }
0x7a: {  	_ =	shalt  }
0x7b: {  	_ =	shalt  }
0x7c: {  	_ =	shalt  }
0x7d: {  	_ =	shalt  }
0x7e: {  	_ =	shalt  }
0x7f: {  	_ =	shalt  }
0x80: {  	_ =	shalt  }
0x81: {  	_ =	shalt  }
0x82: {  	_ =	shalt  }
0x83: {  	_ =	shalt  }
0x84: {  	_ =	shalt  }
0x85: {  	_ =	shalt  }
0x86: {  	_ =	shalt  }
0x87: {  	_ =	shalt  }
.Lfunc_end0:
.L_simem_size_0:
called_computation.1_lowered:
.L_overlay_start_0:
0x88: {  	s2 =	sld [smem:$0x3FD9]  }
0x89: {  	s3 =	sld [smem:$0x3FFE];
	_ =	sdelay $0x1  }
0x8a: {  	s1 =	srdreg.scid  }
0x8b: {  	s0 =	sand.u32 $0x1, s1  }
0x8c: {  	s16 =	sshll.u32 s0, $0xA;
	s2 =	sadd.s32 s3, s2  }
0x8d: {  	s2 =	sadd.s32 s2, s16  }
0x8e: {  	[smem:$0x3FB3] =	sst s2  }
0x8f: {  	_ = 	snop  }
0x90: {  	(tm) =	ssettm $0x1  }
0x91: {  	s17 =	sld [smem:$0x3FFB];
	_ =	sdelay $0x3  }
0x92: {  	_ =	strace s17  }
0x93: {  	s2 =	sld [smem:$0x3FFC];
	_ =	sdelay $0x3  }
0x94: {  	_ =	strace s2  }
0x95: {  	s2 =	sld [smem:$0x3FFD];
	_ =	sdelay $0x3  }
0x96: {  	_ =	strace s2  }
0x97: {  	_ =	strace $0x8FFFFFFF  }
0x98: {  	s18 =	sld [smem:$0x3FDB];
	_ =	sdelay $0x1  }
0x99: {  	s19 =	simm.s32 $_scs_section_size  }
0x9a: {  	s4 =	simm.s32 $_size__tile_overlayer_lowered;
	s5 =	simm.s32 $_tile_overlayer_lowered  }
0x9b: {  	s22 =	simm.s32 $0x1BFF;
	s21 =	sshll.u32 s5, $0x1;
	s2 =	sadd.s32 s19, s18  }
0x9c: {  	s6 =	simm.s32 $0x0;
	s20 =	sshll.u32 s4, $0x1;
	s4 =	sadd.s32 s21, s2  }
0x9d: {  	[timem:s6], [sflag:s22] =	dma.local [hbm:s4], s20  }
0x9e: {  	_ =	swait.ge [sflag:s22], s20  }
0x9f: {  	s3 =	ssub.s32 $0x0, s20;
	[sflag:s22] =	ssyncset.done $0x0  }
0xa0: {  	[sflag:s22] =	ssyncadd.s32 s3;
	_ =	sdelay $0x1  }
0xa1: {  	s23 =	simm.s32 $0x1B8B  }
0xa2: {  	_ =	swait.ge [sflag:s23], $0x1  }
0xa3: {  	[sflag:s23] =	ssyncset.done $0x0  }
0xa4: {  	s25 =	simm.s32 $0x1B8E;
	s24 =	sld [smem:$0x3FFE];
	[sflag:s23] =	ssyncadd.s32 $0xFFFFFFFF  }
0xa5: {  	s26 =	simm.s32 $execute0_lowered;
	[smem:$0x3FD2] =	sst s25  }
0xa6: {  	s4 =	sshll.u32 s26, $0x1;
	_ =	strace $0x80000049;
	[dreg:$0x1] =	wrdreg $0xFFFFFFFF  }
0xa7: {  	s28 =	simm.s32 $_size_execute0_lowered;
	s2 =	sadd.s32 s2, s4;
	[dreg:$0x0] =	wrdreg $0x0  }
0xa8: {  	s4 =	sshll.u32 s28, $0x1;
	[dreg:$0x2] =	wrdreg s2  }
0xa9: {  	[dreg:$0x3] =	wrdreg s4  }
0xaa: {  	[dreg:$0x4] =	wrdreg $0xC0  }
0xab: {  	_ =	task [dreg:s6], $0x5FFFF  }
0xac: {  	[dreg:$0x1] =	wrdreg $0xFFFFFFFF  }
0xad: {  	[dreg:$0x0] =	wrdreg $0x60  }
0xae: {  	[dreg:$0x2] =	wrdreg s24  }
0xaf: {  	[dreg:$0x3] =	wrdreg $0x0  }
0xb0: {  	[dreg:$0x4] =	wrdreg $0x9  }
0xb1: {  	_ =	task.clear_ibuf [dreg:s6], $0x5FFFF;
	_ =	strace $0x90000049  }
0xb2: {  	s29 =	simm.s32 $0x9;
	_ =	strace $0x8000004B  }
0xb3: {  	_ =	swait.ge [sflag:s29], $0x1  }
0xb4: {  	[sflag:s29] =	ssyncadd.s32 $0xFFFFFFFF  }
0xb5: {  	_ =	strace $0x9000004B  }
0xb6: {  	_ =	sfence  }
0xb7: {  	s30 =	sld [smem:$0x0];
	_ =	sdelay $0x2  }
0xb8: {  	s31 =	sshll.u32 s1, $0xD;
	s1 =	sshrl.u32 s1, $0x2  }
0xb9: {  	s3 =	sand.u32 $0x4000, s31;
	s1 =	sadd.s32 s1, s30  }
0xba: {  	s0 =	sor.u32 s3, s0;
	s1 =	sshll.u32 s1, $0x11  }
0xbb: {  	s0 =	sor.u32 s1, s0  }
0xbc: {  	s0 =	sadd.s32 $0x8F2B, s0  }
0xbd: {  	[sflag:s0] =	ssyncadd.remote.s32 $0x1  }
0xbe: {  	_ =	sfence.sel $0xFFFF  }
0xbf: {  	[dreg:$0x0] =	wrdreg $0xFFFFFFFF;
	(pc) =	sbr.abs _section_cstart, $3  }
0xc0: {  	[dreg:$0x1] =	wrdreg $0xFFFFFFFF  }
0xc1: {  	_ =	task.clear_ibuf [dreg:s6], $0x2FFFF;
	_ =	strace $0x9FFFFFFF  }
0xc2: {  	(tm) =	ssettm $0x7FFFFFFF  }
0xc3: {  	_ =	shalt  }
tec
execute0_lowered:
.L_overlay_start_1:
0x0: {  	(tag) =	ssettag $0x1  }
0x1: {  	s8 =	rddreg [dreg:$0x0]  }
0x2: {  	s2 =	rddreg [dreg:$0x1]  }
0x3: {  	s0 =	rddreg [dreg:$0x2];
	s3 =	simm.s32 $0x0;
	s1 =	stileid.u32  }
0x4: {  	s7 =	srdreg.scid;
	s16 =	simm.s32 $0x14000;
	s17 =	simm.s32 $0x16800  }
0x5: {  	s18 =	simm.s32 $0x80;
	s19 =	simm.s32 $0x19000;
	s20 =	simm.s32 $0x1  }
0x6: {  	s21 =	simm.s32 $0x0;
	[smem:$0x7FF] =	sst s3;
	s6 =	smul.u32 $0x500, s1  }
0x7: {  	s4 =	sadd.s32 $0xF600, s8;
	s5 =	sadd.s32 $0x39000, s8;
	s14 =	sand.u32 $0x1, s7  }
0x8: {  	s10 =	smul.u32 $0x50000, s1;
	s7 =	sadd.s32 $0x60200, s8;
	s31 =	sshll.u32 s1, $0x6  }
0x9: {  	_ =	strace $0x8000004A;
	s9 =	ssub.s32 $0x2, s14;
	p0 =	sne.s32 s14, $0x0  }
.Ltmp0:
0xa: {  	s11 =	sadd.s32 s6, s8;
	s6 =	sadd.s32 $0x36800, s8;
	(pc) =	sbr.rel .LBB2_1-.Ltmp0, $4  }
0xb: {  	s8 =	sadd.s32 $0x88200, s8;
	s12 =	sshrl.u32 s9, $0x1;
	s30 =	sshrl.u32 s10, $0x2  }
0xc: {  	s13 =	ssub.s32 s9, s12;
	s15 =	sadd.s32 s30, s2;
	s9 =	sor.u32 $0x1C02, s31  }
0xd: {  	s10 =	sadd.s32 $0xA600, s11;
	s11 =	sadd.s32 $0x5600, s11;
	s12 =	smul.u32 $0x2800, s1  }
0xe: {  	s13 =	smax.u32 s13, $0x1;
	s14 =	sshrl.u32 s15, $0x3;
	s15 =	simm.s32 $0x2  }
.LBB2_7:
0xf: {  	s23 =	sadd.s32 $0x14000, s22;
	[sflag:s15] =	ssyncadd.s32 $0xFFFFC000  }
0x10: {  	[tilespmem:s19], [sflag:$0x1] =	stream.indirect.gather [hbm4b:s5+s18], $0x80, s23, s18, $0xb8;
	[tilespmem:$0x1D000] =	vst v63  }
0x11: {  	_ =	swait.ge [sflag:s20], $0x4000  }
0x12: {  	[sflag:s20] =	ssyncset.done $0x0  }
0x13: {  	s31 =	sadd.s32 $0x16800, s22;
	[sflag:s20] =	ssyncadd.s32 $0xFFFFC000  }
0x14: {  	[spmem:s2] =	stream.indirect.scatter.add.f32 [tilespmem:s19], [sflag:$0x2], $0x80, s31, s18, $0xb8;
	[tilespmem:$0x1D000] =	vst v63  }
0x15: {  	_ =	swait.ge [sflag:s15], $0x4000  }
0x16: {  	[sflag:s15] =	ssyncset.done $0x0  }
0x17: {  	s22 =	smov.u32 s8;
	[sflag:s15] =	ssyncadd.s32 $0xFFFFC000  }
.LBB2_8:
0x18: {  	s21 =	sadd.s32 $0x1, s21  }
0x19: {  	p1 =	sne.s32 s21, s13  }
.Ltmp1:
0x1a: {  	s22 =	sadd.s32 s22, s12;
	[bflag:$0x0] =	sbarrier.arrive $0xFFFF;
	(pc) =	sbr.rel @!p1 .LBB2_9-.Ltmp1, $4  }
0x1b: {  	[hbm:s22], [sflag:s9] =	dma.local [spmem:s14], $0x2800  }
0x1c: {  	_ =	swait.ge [sflag:s15], $0x2800  }
0x1d: {  	[sflag:s15] =	ssyncset.done $0x0  }
0x1e: {  	[sflag:s15] =	ssyncadd.s32 $0xFFFFD800  }
.LBB2_1:
0x1f: {  	[spmem:s14], [sflag:s9] =	dma.local [hbm:s6], $0x2800  }
0x20: {  	_ =	swait.ge [sflag:s15], $0x2800  }
0x21: {  	[sflag:s15] =	ssyncset.done $0x0  }
0x22: {  	[sflag:s15] =	ssyncadd.s32 $0xFFFFD800  }
0x23: {  	[bflag:$0x0] =	sbarrier.arrive $0xFFFF  }
0x24: {  	[tilespmem:s16], [sflag:$0x2] =	stream.linear.gather [hbm4b:s10+s3], $0x2780, $0x38;
	[tilespmem:$0x1D000] =	vst v63  }
0x25: {  	_ =	swait.ge [sflag:s15], $0x2780  }
0x26: {  	[sflag:s15] =	ssyncset.done $0x0  }
.Ltmp2:
0x27: {  	[sflag:s15] =	ssyncadd.s32 $0xFFFFD880;
	(pc) =	sbr.rel @p0 .LBB2_5-.Ltmp2, $4  }
0x28: {  	[tilespmem:s17], [sflag:$0x2] =	stream.linear.gather [hbm4b:s11+s3], $0x2780, $0x38;
	[tilespmem:$0x1D000] =	vst v63  }
0x29: {  	_ =	swait.ge [sflag:s15], $0x2780  }
0x2a: {  	[sflag:s15] =	ssyncset.done $0x0  }
0x2b: {  	s22 =	simm.s32 $0x14000;
	[sflag:s15] =	ssyncadd.s32 $0xFFFFD880  }
0x2c: {  	[tilespmem:s19], [sflag:$0x1] =	stream.indirect.gather [hbm4b:s4+s18], $0x80, s22, s18, $0xb8;
	[tilespmem:$0x1D000] =	vst v63  }
0x2d: {  	_ =	swait.ge [sflag:s20], $0x4000  }
0x2e: {  	[sflag:s20] =	ssyncset.done $0x0  }
0x2f: {  	s31 =	simm.s32 $0x16800;
	[sflag:s20] =	ssyncadd.s32 $0xFFFFC000  }
0x30: {  	[spmem:s2] =	stream.indirect.scatter.add.f32 [tilespmem:s19], [sflag:$0x2], $0x80, s31, s18, $0xb8;
	[tilespmem:$0x1D000] =	vst v63  }
0x31: {  	_ =	swait.ge [sflag:s15], $0x4000  }
0x32: {  	s23 =	simm.s32 $0x400;
	s22 =	simm.s32 $0x80;
	[sflag:s15] =	ssyncset.done $0x0  }
.LBB2_3:
0x33: {  	s24 =	sadd.s32 $0x14000, s22  }
0x34: {  	[sflag:s15] =	ssyncadd.s32 $0xFFFFC000;
	s25 =	smov.u32 s23;
	s26 =	sadd.s32 $0x200, s23  }
0x35: {  	[tilespmem:s19], [sflag:$0x1] =	stream.indirect.gather [hbm4b:s4+s18], $0x80, s24, s18, $0xb8;
	[tilespmem:$0x1D000] =	vst v63  }
0x36: {  	p1 =	seq.s32 s23, $0x9C00;
	_ =	swait.ge [sflag:s20], $0x4000  }
.Ltmp3:
0x37: {  	[sflag:s20] =	ssyncset.done $0x0;
	(pc) =	sbr.rel @!p1 .LBB2_3-.Ltmp3, $4  }
0x38: {  	s22 =	sadd.s32 $0x16800, s22;
	[sflag:s20] =	ssyncadd.s32 $0xFFFFC000  }
0x39: {  	[spmem:s2] =	stream.indirect.scatter.add.f32 [tilespmem:s19], [sflag:$0x2], $0x80, s22, s18, $0xb8;
	[tilespmem:$0x1D000] =	vst v63  }
0x3a: {  	_ =	swait.ge [sflag:s15], $0x4000  }
0x3b: {  	s23 =	smov.u32 s26;
	s22 =	sshra.s32 s25, $0x2;
	[sflag:s15] =	ssyncset.done $0x0  }
0x3c: {  	s23 =	sadd.s32 $0x14000, s22;
	[sflag:s15] =	ssyncadd.s32 $0xFFFFC000  }
0x3d: {  	[tilespmem:s19], [sflag:$0x1] =	stream.indirect.gather [hbm4b:s4+s18], $0x80, s23, s18, $0xb8;
	[tilespmem:$0x1D000] =	vst v63  }
0x3e: {  	_ =	swait.ge [sflag:s20], $0x4000  }
0x3f: {  	[sflag:s20] =	ssyncset.done $0x0  }
.Ltmp4:
0x40: {  	s31 =	sadd.s32 $0x16800, s22;
	[sflag:s20] =	ssyncadd.s32 $0xFFFFC000;
	(pc) =	sbr.rel .LBB2_8-.Ltmp4, $4  }
0x41: {  	[spmem:s2] =	stream.indirect.scatter.add.f32 [tilespmem:s19], [sflag:$0x2], $0x80, s31, s18, $0xb8;
	[tilespmem:$0x1D000] =	vst v63  }
0x42: {  	_ =	swait.ge [sflag:s15], $0x4000  }
0x43: {  	[sflag:s15] =	ssyncset.done $0x0  }
0x44: {  	s22 =	smov.u32 s7;
	[sflag:s15] =	ssyncadd.s32 $0xFFFFC000  }
.LBB2_5:
0x45: {  	[tilespmem:s19], [sflag:$0x1] =	stream.indirect.gather [hbm4b:s5+s18], $0x80, s22, s18, $0xb8;
	[tilespmem:$0x1D000] =	vst v63  }
0x46: {  	_ =	swait.ge [sflag:s20], $0x4000  }
0x47: {  	[sflag:s20] =	ssyncset.done $0x0  }
0x48: {  	s31 =	simm.s32 $0x16800;
	[sflag:s20] =	ssyncadd.s32 $0xFFFFC000  }
0x49: {  	[spmem:s2] =	stream.indirect.scatter.add.f32 [tilespmem:s19], [sflag:$0x2], $0x80, s31, s18, $0xb8;
	[tilespmem:$0x1D000] =	vst v63  }
0x4a: {  	_ =	swait.ge [sflag:s15], $0x4000  }
0x4b: {  	s23 =	simm.s32 $0x400;
	s22 =	simm.s32 $0x80;
	[sflag:s15] =	ssyncset.done $0x0  }
.LBB2_6:
0x4c: {  	s24 =	sadd.s32 $0x14000, s22  }
0x4d: {  	[sflag:s15] =	ssyncadd.s32 $0xFFFFC000;
	s25 =	smov.u32 s23;
	s26 =	sadd.s32 $0x200, s23  }
0x4e: {  	[tilespmem:s19], [sflag:$0x1] =	stream.indirect.gather [hbm4b:s5+s18], $0x80, s24, s18, $0xb8;
	[tilespmem:$0x1D000] =	vst v63  }
0x4f: {  	p1 =	sne.s32 s23, $0x9C00;
	_ =	swait.ge [sflag:s20], $0x4000  }
.Ltmp5:
0x50: {  	[sflag:s20] =	ssyncset.done $0x0;
	(pc) =	sbr.rel @p1 .LBB2_6-.Ltmp5, $4  }
0x51: {  	s22 =	sadd.s32 $0x16800, s22;
	[sflag:s20] =	ssyncadd.s32 $0xFFFFC000  }
0x52: {  	[spmem:s2] =	stream.indirect.scatter.add.f32 [tilespmem:s19], [sflag:$0x2], $0x80, s22, s18, $0xb8;
	[tilespmem:$0x1D000] =	vst v63  }
0x53: {  	_ =	swait.ge [sflag:s15], $0x4000  }
0x54: {  	s23 =	smov.u32 s26;
	s22 =	sshra.s32 s25, $0x2;
	[sflag:s15] =	ssyncset.done $0x0  }
.Ltmp6:
0x55: {  	_ = 	snop;
	(pc) =	sbr.rel .LBB2_7-.Ltmp6, $1  }
0x56: {  	_ =	sdelay $0x3  }
.LBB2_9:
0x57: {  	_ =	sfence.sel $0x180000  }
0x58: {  	[bflag:$0x0] =	sbarrier.arrive $0xFFFF  }
0x59: {  	p0 =	sne.s32 s1, $0x0;
	_ =	strace $0x9000004A  }
0x5a: {  	s0 =	sadd.s32 @!p0 $0x100000, s0;
	[bflag:$0x2] =	sbarrier.arrive $0xFFFF  }
0x5b: {  	[sflag:s0] =	ssyncadd.tile.s32 @!p0 $0x1;
	_ =	shalt  }
.Lfunc_end2:
_tile_overlayer_lowered:
.L_overlay_start_2:
0x5c: {  	(tag) =	ssettag $0x2  }
0x5d: {  	s0 =	rddreg [dreg:$0x0];
	s2 =	stileid.u32  }
0x5e: {  	s1 =	rddreg [dreg:$0x1];
	p0 =	sne.s32 s2, $0x0  }
0x5f: {  	s3 =	rddreg [dreg:$0x2];
	[bflag:$0x3] =	sbarrier.arrive $0xFFFF;
	s2 =	simm.s32 @!p0 $0x1C02  }
0x60: {  	[timem:s3], [sflag:s2] =	dma.local @!p0 [hbm:s0], s1  }
0x61: {  	s0 =	simm.s32 @!p0 $0x2  }
0x62: {  	_ =	swait.ge @!p0 [sflag:s0], s1  }
0x63: {  	s1 =	ssub.s32 @!p0 $0x0, s1;
	[sflag:s0] =	ssyncset.done @!p0 $0x0  }
0x64: {  	[sflag:s0] =	ssyncadd.s32 @!p0 s1  }
0x65: {  	[bflag:$0x3] =	sbarrier.arrive $0xFFFF  }
0x66: {  	_ =	shalt  }

// kernel: kernel.15.cloned.1.call-start
scs
__scs_entry_jumppad:
0x0: {  	(pc) =	sbr.rel $0x88, $3  }
0x1: {  	(tag) =	ssettag $0x0;
	lr =	simm.s32 $0x1  }
0x2: {  	[smem:$0x3F8C] =	sst lr;
	_ =	strace $0xD0000000  }
0x3: {  	_ = 	snop  }
0x4: {  	_ = 	snop  }
0x5: {  	_ = 	snop  }
0x6: {  	_ = 	snop  }
0x7: {  	_ = 	snop  }
__scs_overlays_trampoline_lowered:
0x8: {  	[smem:$0x3F9B] =	sst s0  }
0x9: {  	[smem:$0x3F9C] =	sst s1  }
0xa: {  	[smem:$0x3F9D] =	sst s2  }
0xb: {  	[smem:$0x3F9E] =	sst s3  }
0xc: {  	[smem:$0x3F9F] =	sst s4  }
0xd: {  	[smem:$0x3FA0] =	sst s5  }
0xe: {  	[smem:$0x3FA1] =	sst s6  }
0xf: {  	[smem:$0x3FA2] =	sst s7  }
0x10: {  	[smem:$0x3FA3] =	sst s8  }
0x11: {  	[smem:$0x3FA4] =	sst s9;
	s0 =	simm.s32 @!p0 $0x0  }
0x12: {  	s1 =	sld [smem:$0x3F8A];
	s0 =	simm.s32 @p0 $0x1  }
0x13: {  	[smem:$0x3FA5] =	sst s0;
	s0 =	simm.s32 @!p1 $0x0  }
0x14: {  	s2 =	sld [smem:$0x3F89];
	s0 =	simm.s32 @p1 $0x1  }
0x15: {  	[smem:$0x3FA6] =	sst s0;
	s0 =	simm.s32 @!p2 $0x0  }
0x16: {  	s3 =	sld [smem:$0x3FDB];
	s0 =	simm.s32 @p2 $0x1  }
0x17: {  	s4 =	simm.s32 $0x1BF5;
	[smem:$0x3FA8] =	sst s0  }
0x18: {  	s0 =	sld [smem:$0x3F8B];
	_ =	swait.ge [sflag:s4], $0x0  }
0x19: {  	s7 =	sld [smem:$0x3F8C]  }
0x1a: {  	s8 =	sadd.s32 $0xFFFFE003, lr  }
0x1b: {  	s9 =	sadd.s32 $0xFFFFFEF7, lr;
	s5 =	simm.s32 $0xFFFFFFFF;
	p2 =	slt.u32 s8, $0xFFFFF086  }
0x1c: {  	p1 =	slt.u32 s9, $0xF7A;
	s5 =	simm.s32 @!p2 $0x0  }
0x1d: {  	s5 =	simm.s32 @p1 $0x1;
	p0 =	seq.s32 s7, s2  }
0x1e: {  	s7 =	smul.u32 @!p0 $0xF7A, s2;
	p2 =	seq.s32 @!p0 s5, $0x0  }
0x1f: {  	s9 =	smul.u32 $0xF7A, s1;
	s8 =	simm.s32 @!p0 $0x1BF5;
	p2 =	por !p2, p0  }
0x20: {  	[sflag:s8] =	ssyncset.s32 @!p0 $0xFFFFF086;
	s6 =	sadd.s32 @!p0 s3, s7;
	s7 =	simm.s32 @!p0 $0x108  }
0x21: {  	s3 =	sadd.s32 s3, s9;
	s6 =	sadd.s32 @!p0 $0x88, s6;
	s7 =	simm.s32 @p2 $0x1082  }
0x22: {  	[simem:s7], [sflag:s8] =	dma.local @!p0 [hbm:s6], $0xF7A  }
0x23: {  	s9 =	sor.u32 $0xD0000000, s2;
	s6 =	simm.s32 $0x108;
	_ =	swait.ge @!p0 [sflag:s8], $0x0  }
0x24: {  	s3 =	sadd.s32 $0x88, s3;
	s6 =	simm.s32 @!p1 $0x1082;
	[sflag:s4] =	ssyncset.s32 $0xFFFFF086  }
0x25: {  	[simem:s6], [sflag:s4] =	dma.local [hbm:s3], $0xF7A  }
0x26: {  	[smem:$0x3F8C] =	sst s1;
	(tag) =	ssettag s2;
	_ =	strace s9  }
0x27: {  	s1 =	sld [smem:$0x3F9C]  }
0x28: {  	s2 =	sld [smem:$0x3F9D]  }
0x29: {  	s4 =	sld [smem:$0x3F9F]  }
0x2a: {  	p0 =	seq.s32 s5, $0x0;
	s5 =	sld [smem:$0x3FA0]  }
0x2b: {  	s6 =	sld [smem:$0x3FA1]  }
0x2c: {  	s7 =	sld [smem:$0x3FA2]  }
0x2d: {  	s3 =	simm.s32 $0x108;
	s8 =	sld [smem:$0x3FA3]  }
0x2e: {  	s3 =	simm.s32 @!p0 $0x1082;
	s9 =	sld [smem:$0x3FA4]  }
0x2f: {  	lr =	sadd.s32 s0, s3;
	s0 =	sld [smem:$0x3F9B]  }
0x30: {  	s3 =	sld [smem:$0x3F9E]  }
0x31: {  	[smem:$0x3FA7] =	sst s10  }
0x32: {  	s10 =	sld [smem:$0x3FA5];
	_ =	sdelay $0x3  }
0x33: {  	p0 =	seq.s32 s10, $0x1;
	s10 =	sld [smem:$0x3FA7];
	_ =	sdelay $0x3  }
0x34: {  	[smem:$0x3FA7] =	sst s10  }
0x35: {  	s10 =	sld [smem:$0x3FA6];
	_ =	sdelay $0x3  }
0x36: {  	p1 =	seq.s32 s10, $0x1;
	s10 =	sld [smem:$0x3FA7];
	_ =	sdelay $0x3  }
0x37: {  	[smem:$0x3FA7] =	sst s10  }
0x38: {  	s10 =	sld [smem:$0x3FA8]  }
0x39: {  	_ = 	snop;
	(pc) =	sbr.ind lr, $3  }
0x3a: {  	_ = 	snop  }
0x3b: {  	_ = 	snop  }
0x3c: {  	p2 =	seq.s32 s10, $0x1;
	s10 =	sld [smem:$0x3FA7]  }
0x3d: {  	_ =	shalt  }
0x3e: {  	_ =	shalt  }
0x3f: {  	_ =	shalt  }
0x40: {  	_ =	shalt  }
0x41: {  	_ =	shalt  }
0x42: {  	_ =	shalt  }
0x43: {  	_ =	shalt  }
0x44: {  	_ =	shalt  }
0x45: {  	_ =	shalt  }
0x46: {  	_ =	shalt  }
0x47: {  	_ =	shalt  }
0x48: {  	_ =	shalt  }
0x49: {  	_ =	shalt  }
0x4a: {  	_ =	shalt  }
0x4b: {  	_ =	shalt  }
0x4c: {  	_ =	shalt  }
0x4d: {  	_ =	shalt  }
0x4e: {  	_ =	shalt  }
0x4f: {  	_ =	shalt  }
0x50: {  	_ =	shalt  }
0x51: {  	_ =	shalt  }
0x52: {  	_ =	shalt  }
0x53: {  	_ =	shalt  }
0x54: {  	_ =	shalt  }
0x55: {  	_ =	shalt  }
0x56: {  	_ =	shalt  }
0x57: {  	_ =	shalt  }
0x58: {  	_ =	shalt  }
0x59: {  	_ =	shalt  }
0x5a: {  	_ =	shalt  }
0x5b: {  	_ =	shalt  }
0x5c: {  	_ =	shalt  }
0x5d: {  	_ =	shalt  }
0x5e: {  	_ =	shalt  }
0x5f: {  	_ =	shalt  }
0x60: {  	_ =	shalt  }
0x61: {  	_ =	shalt  }
0x62: {  	_ =	shalt  }
0x63: {  	_ =	shalt  }
0x64: {  	_ =	shalt  }
0x65: {  	_ =	shalt  }
0x66: {  	_ =	shalt  }
0x67: {  	_ =	shalt  }
0x68: {  	_ =	shalt  }
0x69: {  	_ =	shalt  }
0x6a: {  	_ =	shalt  }
0x6b: {  	_ =	shalt  }
0x6c: {  	_ =	shalt  }
0x6d: {  	_ =	shalt  }
0x6e: {  	_ =	shalt  }
0x6f: {  	_ =	shalt  }
0x70: {  	_ =	shalt  }
0x71: {  	_ =	shalt  }
0x72: {  	_ =	shalt  }
0x73: {  	_ =	shalt  }
0x74: {  	_ =	shalt  }
0x75: {  	_ =	shalt  }
0x76: {  	_ =	shalt  }
0x77: {  	_ =	shalt  }
0x78: {  	_ =	shalt  }
0x79: {  	_ =	shalt  }
0x7a: {  	_ =	shalt  }
0x7b: {  	_ =	shalt  }
0x7c: {  	_ =	shalt  }
0x7d: {  	_ =	shalt  }
0x7e: {  	_ =	shalt  }
0x7f: {  	_ =	shalt  }
0x80: {  	_ =	shalt  }
0x81: {  	_ =	shalt  }
0x82: {  	_ =	shalt  }
0x83: {  	_ =	shalt  }
0x84: {  	_ =	shalt  }
0x85: {  	_ =	shalt  }
0x86: {  	_ =	shalt  }
0x87: {  	_ =	shalt  }
.Lfunc_end0:
.L_simem_size_0:
called_computation.2_lowered:
.L_overlay_start_0:
0x88: {  	s2 =	sld [smem:$0x3FD9]  }
0x89: {  	s3 =	sld [smem:$0x3FFE];
	_ =	sdelay $0x1  }
0x8a: {  	s1 =	srdreg.scid  }
0x8b: {  	s0 =	sand.u32 $0x1, s1  }
0x8c: {  	s14 =	sshll.u32 s0, $0xA;
	s2 =	sadd.s32 s3, s2  }
0x8d: {  	s2 =	sadd.s32 s2, s14  }
0x8e: {  	[smem:$0x3FB3] =	sst s2  }
0x8f: {  	_ = 	snop  }
0x90: {  	s2 =	sld [smem:$0x3FD0];
	_ =	sdelay $0x2  }
0x91: {  	s15 =	simm.s32 $0xA;
	s4 =	simm.s32 $0x10  }
0x92: {  	[smem:s4], [sflag:s15] =	dma.local [hbm:s2], $0x1  }
0x93: {  	_ =	swait.eq [sflag:s15], $0x1  }
0x94: {  	[sflag:s15] =	ssyncset.done $0x0  }
0x95: {  	[sflag:s15] =	ssyncadd.s32 $0xFFFFFFFF  }
0x96: {  	s16 =	sld [smem:$0x10];
	(tm) =	ssettm $0x1  }
0x97: {  	s17 =	sld [smem:$0x3FFB];
	_ =	sdelay $0x3  }
0x98: {  	_ =	strace s17  }
0x99: {  	s3 =	sld [smem:$0x3FFC];
	_ =	sdelay $0x3  }
0x9a: {  	_ =	strace s3  }
0x9b: {  	s3 =	sld [smem:$0x3FFD];
	_ =	sdelay $0x3  }
0x9c: {  	_ =	strace s3  }
0x9d: {  	_ =	strace $0x8FFFFFFF  }
0x9e: {  	s18 =	sld [smem:$0x3FDB];
	_ =	sdelay $0x1  }
0x9f: {  	s19 =	simm.s32 $_scs_section_size  }
0xa0: {  	s5 =	simm.s32 $_size__tile_overlayer_lowered;
	s6 =	simm.s32 $_tile_overlayer_lowered  }
0xa1: {  	s22 =	simm.s32 $0x1BFF;
	s21 =	sshll.u32 s6, $0x1;
	s3 =	sadd.s32 s19, s18  }
0xa2: {  	s7 =	simm.s32 $0x0;
	s20 =	sshll.u32 s5, $0x1;
	s5 =	sadd.s32 s21, s3  }
0xa3: {  	[timem:s7], [sflag:s22] =	dma.local [hbm:s5], s20  }
0xa4: {  	_ =	swait.ge [sflag:s22], s20  }
0xa5: {  	s4 =	ssub.s32 $0x0, s20;
	[sflag:s22] =	ssyncset.done $0x0  }
0xa6: {  	[sflag:s22] =	ssyncadd.s32 s4;
	_ =	sdelay $0x1  }
0xa7: {  	s23 =	simm.s32 $0x1B8B  }
0xa8: {  	_ =	swait.ge [sflag:s23], $0x1  }
0xa9: {  	[sflag:s23] =	ssyncset.done $0x0  }
0xaa: {  	s25 =	simm.s32 $0x1B8E;
	s24 =	sld [smem:$0x3FFE];
	[sflag:s23] =	ssyncadd.s32 $0xFFFFFFFF  }
0xab: {  	s26 =	simm.s32 $execute0_lowered;
	[smem:$0x3FD2] =	sst s25  }
0xac: {  	s5 =	sshll.u32 s26, $0x1;
	_ =	strace $0x8000004C;
	[dreg:$0x1] =	wrdreg $0xFFFFFFFF  }
0xad: {  	s28 =	simm.s32 $_size_execute0_lowered;
	s3 =	sadd.s32 s3, s5;
	[dreg:$0x0] =	wrdreg $0x0  }
0xae: {  	s5 =	sshll.u32 s28, $0x1;
	[dreg:$0x2] =	wrdreg s3  }
0xaf: {  	[dreg:$0x3] =	wrdreg s5  }
0xb0: {  	[dreg:$0x4] =	wrdreg $0xC0  }
0xb1: {  	_ =	task [dreg:s7], $0x5FFFF  }
0xb2: {  	[dreg:$0x1] =	wrdreg $0xFFFFFFFF  }
0xb3: {  	[dreg:$0x0] =	wrdreg $0x60  }
0xb4: {  	[dreg:$0x2] =	wrdreg s24  }
0xb5: {  	[dreg:$0x3] =	wrdreg s16  }
0xb6: {  	[dreg:$0x4] =	wrdreg $0x0  }
0xb7: {  	[dreg:$0x5] =	wrdreg $0x9  }
0xb8: {  	_ =	task.clear_ibuf [dreg:s7], $0x6FFFF;
	_ =	strace $0x9000004C  }
0xb9: {  	s29 =	simm.s32 $0x9;
	_ =	strace $0x8000004E  }
0xba: {  	_ =	swait.ge [sflag:s29], $0x1  }
0xbb: {  	[sflag:s29] =	ssyncadd.s32 $0xFFFFFFFF  }
0xbc: {  	_ =	strace $0x9000004E  }
0xbd: {  	_ =	sfence  }
0xbe: {  	s30 =	sld [smem:$0x0];
	_ =	sdelay $0x2  }
0xbf: {  	s31 =	sshll.u32 s1, $0xD;
	s1 =	sshrl.u32 s1, $0x2  }
0xc0: {  	s3 =	sand.u32 $0x4000, s31;
	s1 =	sadd.s32 s1, s30  }
0xc1: {  	s0 =	sor.u32 s3, s0;
	s1 =	sshll.u32 s1, $0x11  }
0xc2: {  	s0 =	sor.u32 s1, s0  }
0xc3: {  	s0 =	sadd.s32 $0x8F2B, s0  }
0xc4: {  	[sflag:s0] =	ssyncadd.remote.s32 $0x1  }
0xc5: {  	_ =	sfence.sel $0xFFFF  }
0xc6: {  	[dreg:$0x0] =	wrdreg $0xFFFFFFFF;
	(pc) =	sbr.abs _section_cstart, $3  }
0xc7: {  	[dreg:$0x1] =	wrdreg $0xFFFFFFFF  }
0xc8: {  	_ =	task.clear_ibuf [dreg:s7], $0x2FFFF;
	_ =	strace $0x9FFFFFFF  }
0xc9: {  	(tm) =	ssettm $0x7FFFFFFF  }
tec
execute0_lowered:
.L_overlay_start_1:
0x0: {  	(tag) =	ssettag $0x1  }
0x1: {  	s8 =	rddreg [dreg:$0x0]  }
0x2: {  	s1 =	rddreg [dreg:$0x1]  }
0x3: {  	s3 =	rddreg [dreg:$0x2]  }
0x4: {  	s0 =	rddreg [dreg:$0x3];
	s4 =	simm.s32 $0x0  }
0x5: {  	s2 =	stileid.u32;
	s9 =	srdreg.scid;
	s16 =	simm.s32 $0x14000  }
0x6: {  	s17 =	simm.s32 $0x16800;
	s18 =	simm.s32 $0x80;
	s19 =	simm.s32 $0x19000  }
0x7: {  	s20 =	simm.s32 $0x1;
	s21 =	simm.s32 $0x0;
	[smem:$0x7FF] =	sst s4  }
0x8: {  	s7 =	smul.u32 $0x500, s2;
	s5 =	sadd.s32 $0xF600, s8;
	s6 =	sadd.s32 $0x39000, s8  }
0x9: {  	s14 =	sand.u32 $0x1, s9;
	s10 =	smul.u32 $0x50000, s2;
	s31 =	sshll.u32 s2, $0x6  }
0xa: {  	_ =	strace $0x8000004D;
	s9 =	ssub.s32 $0x2, s14;
	p0 =	sne.s32 s14, $0x0  }
.Ltmp0:
0xb: {  	s11 =	sadd.s32 s7, s8;
	s7 =	sadd.s32 $0x36800, s8;
	(pc) =	sbr.rel .LBB2_1-.Ltmp0, $4  }
0xc: {  	s8 =	sadd.s32 $0x60200, s8;
	s12 =	sshrl.u32 s9, $0x1;
	s30 =	sshrl.u32 s10, $0x2  }
0xd: {  	s13 =	ssub.s32 s9, s12;
	s15 =	sadd.s32 s30, s3;
	s9 =	sor.u32 $0x1C02, s31  }
0xe: {  	s10 =	sadd.s32 $0xA600, s11;
	s11 =	sadd.s32 $0x5600, s11;
	s12 =	smul.u32 $0x2800, s2  }
0xf: {  	s13 =	smax.u32 s13, $0x1;
	s14 =	sshrl.u32 s15, $0x3;
	s15 =	simm.s32 $0x2  }
.LBB2_7:
0x10: {  	s23 =	sadd.s32 $0x14000, s22;
	[sflag:s15] =	ssyncadd.s32 $0xFFFFC000  }
0x11: {  	[tilespmem:s19], [sflag:$0x1] =	stream.indirect.gather [hbm4b:s6+s18], $0x80, s23, s18, $0xb8;
	[tilespmem:$0x1D000] =	vst v63  }
0x12: {  	_ =	swait.ge [sflag:s20], $0x4000  }
0x13: {  	[sflag:s20] =	ssyncset.done $0x0  }
0x14: {  	s31 =	sadd.s32 $0x16800, s22;
	[sflag:s20] =	ssyncadd.s32 $0xFFFFC000  }
0x15: {  	[spmem:s3] =	stream.indirect.scatter.add.f32 [tilespmem:s19], [sflag:$0x2], $0x80, s31, s18, $0xb8;
	[tilespmem:$0x1D000] =	vst v63  }
0x16: {  	_ =	swait.ge [sflag:s15], $0x4000  }
0x17: {  	[sflag:s15] =	ssyncset.done $0x0  }
0x18: {  	s22 =	smov.u32 s8;
	[sflag:s15] =	ssyncadd.s32 $0xFFFFC000  }
.LBB2_8:
0x19: {  	s21 =	sadd.s32 $0x1, s21  }
0x1a: {  	p1 =	sne.s32 s21, s13  }
.Ltmp1:
0x1b: {  	s22 =	sadd.s32 s22, s12;
	[bflag:$0x0] =	sbarrier.arrive $0xFFFF;
	(pc) =	sbr.rel @!p1 .LBB2_9-.Ltmp1, $4  }
0x1c: {  	[hbm:s22], [sflag:s9] =	dma.local [spmem:s14], $0x2800  }
0x1d: {  	_ =	swait.ge [sflag:s15], $0x2800  }
0x1e: {  	[sflag:s15] =	ssyncset.done $0x0  }
0x1f: {  	[sflag:s15] =	ssyncadd.s32 $0xFFFFD800  }
.LBB2_1:
0x20: {  	[spmem:s14], [sflag:s9] =	dma.local [hbm:s7], $0x2800  }
0x21: {  	_ =	swait.ge [sflag:s15], $0x2800  }
0x22: {  	[sflag:s15] =	ssyncset.done $0x0  }
0x23: {  	[sflag:s15] =	ssyncadd.s32 $0xFFFFD800  }
0x24: {  	[bflag:$0x0] =	sbarrier.arrive $0xFFFF  }
0x25: {  	[tilespmem:s16], [sflag:$0x2] =	stream.linear.gather [hbm4b:s10+s4], $0x2780, $0x38;
	[tilespmem:$0x1D000] =	vst v63  }
0x26: {  	_ =	swait.ge [sflag:s15], $0x2780  }
0x27: {  	[sflag:s15] =	ssyncset.done $0x0  }
.Ltmp2:
0x28: {  	[sflag:s15] =	ssyncadd.s32 $0xFFFFD880;
	(pc) =	sbr.rel @p0 .LBB2_5-.Ltmp2, $4  }
0x29: {  	[tilespmem:s17], [sflag:$0x2] =	stream.linear.gather [hbm4b:s11+s4], $0x2780, $0x38;
	[tilespmem:$0x1D000] =	vst v63  }
0x2a: {  	_ =	swait.ge [sflag:s15], $0x2780  }
0x2b: {  	[sflag:s15] =	ssyncset.done $0x0  }
0x2c: {  	s22 =	simm.s32 $0x14000;
	[sflag:s15] =	ssyncadd.s32 $0xFFFFD880  }
0x2d: {  	[tilespmem:s19], [sflag:$0x1] =	stream.indirect.gather [hbm4b:s5+s18], $0x80, s22, s18, $0xb8;
	[tilespmem:$0x1D000] =	vst v63  }
0x2e: {  	_ =	swait.ge [sflag:s20], $0x4000  }
0x2f: {  	[sflag:s20] =	ssyncset.done $0x0  }
0x30: {  	s31 =	simm.s32 $0x16800;
	[sflag:s20] =	ssyncadd.s32 $0xFFFFC000  }
0x31: {  	[spmem:s3] =	stream.indirect.scatter.add.f32 [tilespmem:s19], [sflag:$0x2], $0x80, s31, s18, $0xb8;
	[tilespmem:$0x1D000] =	vst v63  }
0x32: {  	_ =	swait.ge [sflag:s15], $0x4000  }
0x33: {  	s23 =	simm.s32 $0x400;
	s22 =	simm.s32 $0x80;
	[sflag:s15] =	ssyncset.done $0x0  }
.LBB2_3:
0x34: {  	s24 =	sadd.s32 $0x14000, s22  }
0x35: {  	[sflag:s15] =	ssyncadd.s32 $0xFFFFC000;
	s25 =	smov.u32 s23;
	s26 =	sadd.s32 $0x200, s23  }
0x36: {  	[tilespmem:s19], [sflag:$0x1] =	stream.indirect.gather [hbm4b:s5+s18], $0x80, s24, s18, $0xb8;
	[tilespmem:$0x1D000] =	vst v63  }
0x37: {  	p1 =	seq.s32 s23, $0x9C00;
	_ =	swait.ge [sflag:s20], $0x4000  }
.Ltmp3:
0x38: {  	[sflag:s20] =	ssyncset.done $0x0;
	(pc) =	sbr.rel @!p1 .LBB2_3-.Ltmp3, $4  }
0x39: {  	s22 =	sadd.s32 $0x16800, s22;
	[sflag:s20] =	ssyncadd.s32 $0xFFFFC000  }
0x3a: {  	[spmem:s3] =	stream.indirect.scatter.add.f32 [tilespmem:s19], [sflag:$0x2], $0x80, s22, s18, $0xb8;
	[tilespmem:$0x1D000] =	vst v63  }
0x3b: {  	_ =	swait.ge [sflag:s15], $0x4000  }
0x3c: {  	s23 =	smov.u32 s26;
	s22 =	sshra.s32 s25, $0x2;
	[sflag:s15] =	ssyncset.done $0x0  }
0x3d: {  	s23 =	sadd.s32 $0x14000, s22;
	[sflag:s15] =	ssyncadd.s32 $0xFFFFC000  }
0x3e: {  	[tilespmem:s19], [sflag:$0x1] =	stream.indirect.gather [hbm4b:s5+s18], $0x80, s23, s18, $0xb8;
	[tilespmem:$0x1D000] =	vst v63  }
0x3f: {  	_ =	swait.ge [sflag:s20], $0x4000  }
0x40: {  	[sflag:s20] =	ssyncset.done $0x0  }
.Ltmp4:
0x41: {  	s31 =	sadd.s32 $0x16800, s22;
	[sflag:s20] =	ssyncadd.s32 $0xFFFFC000;
	(pc) =	sbr.rel .LBB2_8-.Ltmp4, $4  }
0x42: {  	[spmem:s3] =	stream.indirect.scatter.add.f32 [tilespmem:s19], [sflag:$0x2], $0x80, s31, s18, $0xb8;
	[tilespmem:$0x1D000] =	vst v63  }
0x43: {  	_ =	swait.ge [sflag:s15], $0x4000  }
0x44: {  	[sflag:s15] =	ssyncset.done $0x0  }
0x45: {  	s22 =	smov.u32 s1;
	[sflag:s15] =	ssyncadd.s32 $0xFFFFC000  }
.LBB2_5:
0x46: {  	[tilespmem:s19], [sflag:$0x1] =	stream.indirect.gather [hbm4b:s6+s18], $0x80, s22, s18, $0xb8;
	[tilespmem:$0x1D000] =	vst v63  }
0x47: {  	_ =	swait.ge [sflag:s20], $0x4000  }
0x48: {  	[sflag:s20] =	ssyncset.done $0x0  }
0x49: {  	s31 =	simm.s32 $0x16800;
	[sflag:s20] =	ssyncadd.s32 $0xFFFFC000  }
0x4a: {  	[spmem:s3] =	stream.indirect.scatter.add.f32 [tilespmem:s19], [sflag:$0x2], $0x80, s31, s18, $0xb8;
	[tilespmem:$0x1D000] =	vst v63  }
0x4b: {  	_ =	swait.ge [sflag:s15], $0x4000  }
0x4c: {  	s23 =	simm.s32 $0x400;
	s22 =	simm.s32 $0x80;
	[sflag:s15] =	ssyncset.done $0x0  }
.LBB2_6:
0x4d: {  	s24 =	sadd.s32 $0x14000, s22  }
0x4e: {  	[sflag:s15] =	ssyncadd.s32 $0xFFFFC000;
	s25 =	smov.u32 s23;
	s26 =	sadd.s32 $0x200, s23  }
0x4f: {  	[tilespmem:s19], [sflag:$0x1] =	stream.indirect.gather [hbm4b:s6+s18], $0x80, s24, s18, $0xb8;
	[tilespmem:$0x1D000] =	vst v63  }
0x50: {  	p1 =	sne.s32 s23, $0x9C00;
	_ =	swait.ge [sflag:s20], $0x4000  }
.Ltmp5:
0x51: {  	[sflag:s20] =	ssyncset.done $0x0;
	(pc) =	sbr.rel @p1 .LBB2_6-.Ltmp5, $4  }
0x52: {  	s22 =	sadd.s32 $0x16800, s22;
	[sflag:s20] =	ssyncadd.s32 $0xFFFFC000  }
0x53: {  	[spmem:s3] =	stream.indirect.scatter.add.f32 [tilespmem:s19], [sflag:$0x2], $0x80, s22, s18, $0xb8;
	[tilespmem:$0x1D000] =	vst v63  }
0x54: {  	_ =	swait.ge [sflag:s15], $0x4000  }
0x55: {  	s23 =	smov.u32 s26;
	s22 =	sshra.s32 s25, $0x2;
	[sflag:s15] =	ssyncset.done $0x0  }
.Ltmp6:
0x56: {  	_ = 	snop;
	(pc) =	sbr.rel .LBB2_7-.Ltmp6, $1  }
0x57: {  	_ =	sdelay $0x3  }
.LBB2_9:
0x58: {  	_ =	sfence.sel $0x180000  }
0x59: {  	[bflag:$0x0] =	sbarrier.arrive $0xFFFF  }
0x5a: {  	p0 =	sne.s32 s2, $0x0;
	_ =	strace $0x9000004D  }
0x5b: {  	s0 =	sadd.s32 @!p0 $0x100000, s0;
	[bflag:$0x2] =	sbarrier.arrive $0xFFFF  }
0x5c: {  	[sflag:s0] =	ssyncadd.tile.s32 @!p0 $0x1;
	_ =	shalt  }
.Lfunc_end2:
_tile_overlayer_lowered:
.L_overlay_start_2:
0x5d: {  	(tag) =	ssettag $0x2  }
0x5e: {  	s0 =	rddreg [dreg:$0x0];
	s2 =	stileid.u32  }
0x5f: {  	s1 =	rddreg [dreg:$0x1];
	p0 =	sne.s32 s2, $0x0  }
0x60: {  	s3 =	rddreg [dreg:$0x2];
	[bflag:$0x3] =	sbarrier.arrive $0xFFFF;
	s2 =	simm.s32 @!p0 $0x1C02  }
0x61: {  	[timem:s3], [sflag:s2] =	dma.local @!p0 [hbm:s0], s1  }
0x62: {  	s0 =	simm.s32 @!p0 $0x2  }
0x63: {  	_ =	swait.ge @!p0 [sflag:s0], s1  }
0x64: {  	s1 =	ssub.s32 @!p0 $0x0, s1;
	[sflag:s0] =	ssyncset.done @!p0 $0x0  }
0x65: {  	[sflag:s0] =	ssyncadd.s32 @!p0 s1  }
0x66: {  	[bflag:$0x3] =	sbarrier.arrive $0xFFFF  }
0x67: {  	_ =	shalt  }

// kernel: kernel.9.cloned.1.call-start
scs
__scs_entry_jumppad:
0x0: {  	(pc) =	sbr.rel $0x88, $3  }
0x1: {  	(tag) =	ssettag $0x0;
	lr =	simm.s32 $0x1  }
0x2: {  	[smem:$0x3F8C] =	sst lr;
	_ =	strace $0xD0000000  }
0x3: {  	_ = 	snop  }
0x4: {  	_ = 	snop  }
0x5: {  	_ = 	snop  }
0x6: {  	_ = 	snop  }
0x7: {  	_ = 	snop  }
__scs_overlays_trampoline_lowered:
0x8: {  	[smem:$0x3F9B] =	sst s0  }
0x9: {  	[smem:$0x3F9C] =	sst s1  }
0xa: {  	[smem:$0x3F9D] =	sst s2  }
0xb: {  	[smem:$0x3F9E] =	sst s3  }
0xc: {  	[smem:$0x3F9F] =	sst s4  }
0xd: {  	[smem:$0x3FA0] =	sst s5  }
0xe: {  	[smem:$0x3FA1] =	sst s6  }
0xf: {  	[smem:$0x3FA2] =	sst s7  }
0x10: {  	[smem:$0x3FA3] =	sst s8  }
0x11: {  	[smem:$0x3FA4] =	sst s9;
	s0 =	simm.s32 @!p0 $0x0  }
0x12: {  	s1 =	sld [smem:$0x3F8A];
	s0 =	simm.s32 @p0 $0x1  }
0x13: {  	[smem:$0x3FA5] =	sst s0;
	s0 =	simm.s32 @!p1 $0x0  }
0x14: {  	s2 =	sld [smem:$0x3F89];
	s0 =	simm.s32 @p1 $0x1  }
0x15: {  	[smem:$0x3FA6] =	sst s0;
	s0 =	simm.s32 @!p2 $0x0  }
0x16: {  	s3 =	sld [smem:$0x3FDB];
	s0 =	simm.s32 @p2 $0x1  }
0x17: {  	s4 =	simm.s32 $0x1BF5;
	[smem:$0x3FA8] =	sst s0  }
0x18: {  	s0 =	sld [smem:$0x3F8B];
	_ =	swait.ge [sflag:s4], $0x0  }
0x19: {  	s7 =	sld [smem:$0x3F8C]  }
0x1a: {  	s8 =	sadd.s32 $0xFFFFE003, lr  }
0x1b: {  	s9 =	sadd.s32 $0xFFFFFEF7, lr;
	s5 =	simm.s32 $0xFFFFFFFF;
	p2 =	slt.u32 s8, $0xFFFFF086  }
0x1c: {  	p1 =	slt.u32 s9, $0xF7A;
	s5 =	simm.s32 @!p2 $0x0  }
0x1d: {  	s5 =	simm.s32 @p1 $0x1;
	p0 =	seq.s32 s7, s2  }
0x1e: {  	s7 =	smul.u32 @!p0 $0xF7A, s2;
	p2 =	seq.s32 @!p0 s5, $0x0  }
0x1f: {  	s9 =	smul.u32 $0xF7A, s1;
	s8 =	simm.s32 @!p0 $0x1BF5;
	p2 =	por !p2, p0  }
0x20: {  	[sflag:s8] =	ssyncset.s32 @!p0 $0xFFFFF086;
	s6 =	sadd.s32 @!p0 s3, s7;
	s7 =	simm.s32 @!p0 $0x108  }
0x21: {  	s3 =	sadd.s32 s3, s9;
	s6 =	sadd.s32 @!p0 $0x88, s6;
	s7 =	simm.s32 @p2 $0x1082  }
0x22: {  	[simem:s7], [sflag:s8] =	dma.local @!p0 [hbm:s6], $0xF7A  }
0x23: {  	s9 =	sor.u32 $0xD0000000, s2;
	s6 =	simm.s32 $0x108;
	_ =	swait.ge @!p0 [sflag:s8], $0x0  }
0x24: {  	s3 =	sadd.s32 $0x88, s3;
	s6 =	simm.s32 @!p1 $0x1082;
	[sflag:s4] =	ssyncset.s32 $0xFFFFF086  }
0x25: {  	[simem:s6], [sflag:s4] =	dma.local [hbm:s3], $0xF7A  }
0x26: {  	[smem:$0x3F8C] =	sst s1;
	(tag) =	ssettag s2;
	_ =	strace s9  }
0x27: {  	s1 =	sld [smem:$0x3F9C]  }
0x28: {  	s2 =	sld [smem:$0x3F9D]  }
0x29: {  	s4 =	sld [smem:$0x3F9F]  }
0x2a: {  	p0 =	seq.s32 s5, $0x0;
	s5 =	sld [smem:$0x3FA0]  }
0x2b: {  	s6 =	sld [smem:$0x3FA1]  }
0x2c: {  	s7 =	sld [smem:$0x3FA2]  }
0x2d: {  	s3 =	simm.s32 $0x108;
	s8 =	sld [smem:$0x3FA3]  }
0x2e: {  	s3 =	simm.s32 @!p0 $0x1082;
	s9 =	sld [smem:$0x3FA4]  }
0x2f: {  	lr =	sadd.s32 s0, s3;
	s0 =	sld [smem:$0x3F9B]  }
0x30: {  	s3 =	sld [smem:$0x3F9E]  }
0x31: {  	[smem:$0x3FA7] =	sst s10  }
0x32: {  	s10 =	sld [smem:$0x3FA5];
	_ =	sdelay $0x3  }
0x33: {  	p0 =	seq.s32 s10, $0x1;
	s10 =	sld [smem:$0x3FA7];
	_ =	sdelay $0x3  }
0x34: {  	[smem:$0x3FA7] =	sst s10  }
0x35: {  	s10 =	sld [smem:$0x3FA6];
	_ =	sdelay $0x3  }
0x36: {  	p1 =	seq.s32 s10, $0x1;
	s10 =	sld [smem:$0x3FA7];
	_ =	sdelay $0x3  }
0x37: {  	[smem:$0x3FA7] =	sst s10  }
0x38: {  	s10 =	sld [smem:$0x3FA8]  }
0x39: {  	_ = 	snop;
	(pc) =	sbr.ind lr, $3  }
0x3a: {  	_ = 	snop  }
0x3b: {  	_ = 	snop  }
0x3c: {  	p2 =	seq.s32 s10, $0x1;
	s10 =	sld [smem:$0x3FA7]  }
0x3d: {  	_ =	shalt  }
0x3e: {  	_ =	shalt  }
0x3f: {  	_ =	shalt  }
0x40: {  	_ =	shalt  }
0x41: {  	_ =	shalt  }
0x42: {  	_ =	shalt  }
0x43: {  	_ =	shalt  }
0x44: {  	_ =	shalt  }
0x45: {  	_ =	shalt  }
0x46: {  	_ =	shalt  }
0x47: {  	_ =	shalt  }
0x48: {  	_ =	shalt  }
0x49: {  	_ =	shalt  }
0x4a: {  	_ =	shalt  }
0x4b: {  	_ =	shalt  }
0x4c: {  	_ =	shalt  }
0x4d: {  	_ =	shalt  }
0x4e: {  	_ =	shalt  }
0x4f: {  	_ =	shalt  }
0x50: {  	_ =	shalt  }
0x51: {  	_ =	shalt  }
0x52: {  	_ =	shalt  }
0x53: {  	_ =	shalt  }
0x54: {  	_ =	shalt  }
0x55: {  	_ =	shalt  }
0x56: {  	_ =	shalt  }
0x57: {  	_ =	shalt  }
0x58: {  	_ =	shalt  }
0x59: {  	_ =	shalt  }
0x5a: {  	_ =	shalt  }
0x5b: {  	_ =	shalt  }
0x5c: {  	_ =	shalt  }
0x5d: {  	_ =	shalt  }
0x5e: {  	_ =	shalt  }
0x5f: {  	_ =	shalt  }
0x60: {  	_ =	shalt  }
0x61: {  	_ =	shalt  }
0x62: {  	_ =	shalt  }
0x63: {  	_ =	shalt  }
0x64: {  	_ =	shalt  }
0x65: {  	_ =	shalt  }
0x66: {  	_ =	shalt  }
0x67: {  	_ =	shalt  }
0x68: {  	_ =	shalt  }
0x69: {  	_ =	shalt  }
0x6a: {  	_ =	shalt  }
0x6b: {  	_ =	shalt  }
0x6c: {  	_ =	shalt  }
0x6d: {  	_ =	shalt  }
0x6e: {  	_ =	shalt  }
0x6f: {  	_ =	shalt  }
0x70: {  	_ =	shalt  }
0x71: {  	_ =	shalt  }
0x72: {  	_ =	shalt  }
0x73: {  	_ =	shalt  }
0x74: {  	_ =	shalt  }
0x75: {  	_ =	shalt  }
0x76: {  	_ =	shalt  }
0x77: {  	_ =	shalt  }
0x78: {  	_ =	shalt  }
0x79: {  	_ =	shalt  }
0x7a: {  	_ =	shalt  }
0x7b: {  	_ =	shalt  }
0x7c: {  	_ =	shalt  }
0x7d: {  	_ =	shalt  }
0x7e: {  	_ =	shalt  }
0x7f: {  	_ =	shalt  }
0x80: {  	_ =	shalt  }
0x81: {  	_ =	shalt  }
0x82: {  	_ =	shalt  }
0x83: {  	_ =	shalt  }
0x84: {  	_ =	shalt  }
0x85: {  	_ =	shalt  }
0x86: {  	_ =	shalt  }
0x87: {  	_ =	shalt  }
.Lfunc_end0:
.L_simem_size_0:
called_computation_lowered:
.L_overlay_start_0:
0x88: {  	s2 =	sld [smem:$0x3FD9]  }
0x89: {  	s3 =	sld [smem:$0x3FFE];
	_ =	sdelay $0x1  }
0x8a: {  	s1 =	srdreg.scid  }
0x8b: {  	s0 =	sand.u32 $0x1, s1  }
0x8c: {  	s14 =	sshll.u32 s0, $0xA;
	s2 =	sadd.s32 s3, s2  }
0x8d: {  	s2 =	sadd.s32 s2, s14  }
0x8e: {  	[smem:$0x3FB3] =	sst s2  }
0x8f: {  	_ = 	snop  }
0x90: {  	s2 =	sld [smem:$0x3FD0];
	_ =	sdelay $0x2  }
0x91: {  	s15 =	simm.s32 $0xA;
	s4 =	simm.s32 $0x10  }
0x92: {  	[smem:s4], [sflag:s15] =	dma.local [hbm:s2], $0x1  }
0x93: {  	_ =	swait.eq [sflag:s15], $0x1  }
0x94: {  	[sflag:s15] =	ssyncset.done $0x0  }
0x95: {  	[sflag:s15] =	ssyncadd.s32 $0xFFFFFFFF  }
0x96: {  	s16 =	sld [smem:$0x10];
	(tm) =	ssettm $0x1  }
0x97: {  	s17 =	sld [smem:$0x3FFB];
	_ =	sdelay $0x3  }
0x98: {  	_ =	strace s17  }
0x99: {  	s3 =	sld [smem:$0x3FFC];
	_ =	sdelay $0x3  }
0x9a: {  	_ =	strace s3  }
0x9b: {  	s3 =	sld [smem:$0x3FFD];
	_ =	sdelay $0x3  }
0x9c: {  	_ =	strace s3  }
0x9d: {  	_ =	strace $0x8FFFFFFF  }
0x9e: {  	s18 =	sld [smem:$0x3FDB];
	_ =	sdelay $0x1  }
0x9f: {  	s19 =	simm.s32 $_scs_section_size  }
0xa0: {  	s5 =	simm.s32 $_size__tile_overlayer_lowered;
	s6 =	simm.s32 $_tile_overlayer_lowered  }
0xa1: {  	s22 =	simm.s32 $0x1BFF;
	s21 =	sshll.u32 s6, $0x1;
	s3 =	sadd.s32 s19, s18  }
0xa2: {  	s7 =	simm.s32 $0x0;
	s20 =	sshll.u32 s5, $0x1;
	s5 =	sadd.s32 s21, s3  }
0xa3: {  	[timem:s7], [sflag:s22] =	dma.local [hbm:s5], s20  }
0xa4: {  	_ =	swait.ge [sflag:s22], s20  }
0xa5: {  	s4 =	ssub.s32 $0x0, s20;
	[sflag:s22] =	ssyncset.done $0x0  }
0xa6: {  	[sflag:s22] =	ssyncadd.s32 s4;
	_ =	sdelay $0x1  }
0xa7: {  	s23 =	simm.s32 $0x1B8B  }
0xa8: {  	_ =	swait.ge [sflag:s23], $0x1  }
0xa9: {  	[sflag:s23] =	ssyncset.done $0x0  }
0xaa: {  	s25 =	simm.s32 $0x1B8E;
	s24 =	sld [smem:$0x3FFE];
	[sflag:s23] =	ssyncadd.s32 $0xFFFFFFFF  }
0xab: {  	s26 =	simm.s32 $execute0_lowered;
	[smem:$0x3FD2] =	sst s25  }
0xac: {  	s5 =	sshll.u32 s26, $0x1;
	_ =	strace $0x80000046;
	[dreg:$0x1] =	wrdreg $0xFFFFFFFF  }
0xad: {  	s28 =	simm.s32 $_size_execute0_lowered;
	s3 =	sadd.s32 s3, s5;
	[dreg:$0x0] =	wrdreg $0x0  }
0xae: {  	s5 =	sshll.u32 s28, $0x1;
	[dreg:$0x2] =	wrdreg s3  }
0xaf: {  	[dreg:$0x3] =	wrdreg s5  }
0xb0: {  	[dreg:$0x4] =	wrdreg $0xC0  }
0xb1: {  	_ =	task [dreg:s7], $0x5FFFF  }
0xb2: {  	[dreg:$0x1] =	wrdreg $0xFFFFFFFF  }
0xb3: {  	[dreg:$0x0] =	wrdreg $0x60  }
0xb4: {  	[dreg:$0x2] =	wrdreg s16  }
0xb5: {  	[dreg:$0x3] =	wrdreg s24  }
0xb6: {  	[dreg:$0x4] =	wrdreg $0x0  }
0xb7: {  	[dreg:$0x5] =	wrdreg $0x9  }
0xb8: {  	_ =	task.clear_ibuf [dreg:s7], $0x6FFFF;
	_ =	strace $0x90000046  }
0xb9: {  	s29 =	simm.s32 $0x9;
	_ =	strace $0x80000048  }
0xba: {  	_ =	swait.ge [sflag:s29], $0x1  }
0xbb: {  	[sflag:s29] =	ssyncadd.s32 $0xFFFFFFFF  }
0xbc: {  	_ =	strace $0x90000048  }
0xbd: {  	_ =	sfence  }
0xbe: {  	s30 =	sld [smem:$0x0];
	_ =	sdelay $0x2  }
0xbf: {  	s31 =	sshll.u32 s1, $0xD;
	s1 =	sshrl.u32 s1, $0x2  }
0xc0: {  	s3 =	sand.u32 $0x4000, s31;
	s1 =	sadd.s32 s1, s30  }
0xc1: {  	s0 =	sor.u32 s3, s0;
	s1 =	sshll.u32 s1, $0x11  }
0xc2: {  	s0 =	sor.u32 s1, s0  }
0xc3: {  	s0 =	sadd.s32 $0x8F2B, s0  }
0xc4: {  	[sflag:s0] =	ssyncadd.remote.s32 $0x1  }
0xc5: {  	_ =	sfence.sel $0xFFFF  }
0xc6: {  	[dreg:$0x0] =	wrdreg $0xFFFFFFFF;
	(pc) =	sbr.abs _section_cstart, $3  }
0xc7: {  	[dreg:$0x1] =	wrdreg $0xFFFFFFFF  }
0xc8: {  	_ =	task.clear_ibuf [dreg:s7], $0x2FFFF;
	_ =	strace $0x9FFFFFFF  }
0xc9: {  	(tm) =	ssettm $0x7FFFFFFF  }
tec
execute0_lowered:
.L_overlay_start_1:
0x0: {  	(tag) =	ssettag $0x1  }
0x1: {  	s1 =	rddreg [dreg:$0x0]  }
0x2: {  	s8 =	rddreg [dreg:$0x1]  }
0x3: {  	s3 =	rddreg [dreg:$0x2]  }
0x4: {  	s0 =	rddreg [dreg:$0x3];
	s4 =	simm.s32 $0x0  }
0x5: {  	s2 =	stileid.u32;
	s7 =	srdreg.scid;
	s16 =	simm.s32 $0x14000  }
0x6: {  	s17 =	simm.s32 $0x16800;
	s18 =	simm.s32 $0x80;
	s19 =	simm.s32 $0x19000  }
0x7: {  	s20 =	simm.s32 $0x1;
	s21 =	simm.s32 $0x0;
	[smem:$0x7FF] =	sst s4  }
0x8: {  	s6 =	smul.u32 $0x500, s2;
	s5 =	sadd.s32 $0xF600, s8;
	s14 =	sand.u32 $0x1, s7  }
0x9: {  	s10 =	smul.u32 $0x50000, s2;
	s7 =	sadd.s32 $0x39000, s8;
	s31 =	sshll.u32 s2, $0x6  }
0xa: {  	_ =	strace $0x80000047;
	s9 =	ssub.s32 $0x2, s14;
	p0 =	sne.s32 s14, $0x0  }
.Ltmp0:
0xb: {  	s11 =	sadd.s32 s6, s8;
	s6 =	sadd.s32 $0x36800, s8;
	(pc) =	sbr.rel .LBB2_1-.Ltmp0, $4  }
0xc: {  	s8 =	sadd.s32 $0x61000, s8;
	s12 =	sshrl.u32 s9, $0x1;
	s30 =	sshrl.u32 s10, $0x2  }
0xd: {  	s13 =	ssub.s32 s9, s12;
	s15 =	sadd.s32 s30, s3;
	s9 =	sor.u32 $0x1C02, s31  }
0xe: {  	s10 =	sadd.s32 $0xA600, s11;
	s11 =	sadd.s32 $0x5600, s11;
	s12 =	smul.u32 $0x2800, s2  }
0xf: {  	s13 =	smax.u32 s13, $0x1;
	s14 =	sshrl.u32 s15, $0x3;
	s15 =	simm.s32 $0x2  }
.LBB2_7:
0x10: {  	s23 =	sadd.s32 $0x14000, s22;
	[sflag:s15] =	ssyncadd.s32 $0xFFFFC000  }
0x11: {  	[tilespmem:s19], [sflag:$0x1] =	stream.indirect.gather [hbm4b:s5+s18], $0x80, s23, s18, $0xb8;
	[tilespmem:$0x1D000] =	vst v63  }
0x12: {  	_ =	swait.ge [sflag:s20], $0x4000  }
0x13: {  	[sflag:s20] =	ssyncset.done $0x0  }
0x14: {  	s31 =	sadd.s32 $0x16800, s22;
	[sflag:s20] =	ssyncadd.s32 $0xFFFFC000  }
0x15: {  	[spmem:s3] =	stream.indirect.scatter.add.f32 [tilespmem:s19], [sflag:$0x2], $0x80, s31, s18, $0xb8;
	[tilespmem:$0x1D000] =	vst v63  }
0x16: {  	_ =	swait.ge [sflag:s15], $0x4000  }
0x17: {  	[sflag:s15] =	ssyncset.done $0x0  }
0x18: {  	s22 =	smov.u32 s8;
	[sflag:s15] =	ssyncadd.s32 $0xFFFFC000  }
.LBB2_8:
0x19: {  	s21 =	sadd.s32 $0x1, s21  }
0x1a: {  	p1 =	sne.s32 s21, s13  }
.Ltmp1:
0x1b: {  	s22 =	sadd.s32 s22, s12;
	[bflag:$0x0] =	sbarrier.arrive $0xFFFF;
	(pc) =	sbr.rel @!p1 .LBB2_9-.Ltmp1, $4  }
0x1c: {  	[hbm:s22], [sflag:s9] =	dma.local [spmem:s14], $0x2800  }
0x1d: {  	_ =	swait.ge [sflag:s15], $0x2800  }
0x1e: {  	[sflag:s15] =	ssyncset.done $0x0  }
0x1f: {  	[sflag:s15] =	ssyncadd.s32 $0xFFFFD800  }
.LBB2_1:
0x20: {  	[spmem:s14], [sflag:s9] =	dma.local [hbm:s6], $0x2800  }
0x21: {  	_ =	swait.ge [sflag:s15], $0x2800  }
0x22: {  	[sflag:s15] =	ssyncset.done $0x0  }
0x23: {  	[sflag:s15] =	ssyncadd.s32 $0xFFFFD800  }
0x24: {  	[bflag:$0x0] =	sbarrier.arrive $0xFFFF  }
0x25: {  	[tilespmem:s16], [sflag:$0x2] =	stream.linear.gather [hbm4b:s10+s4], $0x2780, $0x38;
	[tilespmem:$0x1D000] =	vst v63  }
0x26: {  	_ =	swait.ge [sflag:s15], $0x2780  }
0x27: {  	[sflag:s15] =	ssyncset.done $0x0  }
.Ltmp2:
0x28: {  	[sflag:s15] =	ssyncadd.s32 $0xFFFFD880;
	(pc) =	sbr.rel @p0 .LBB2_5-.Ltmp2, $4  }
0x29: {  	[tilespmem:s17], [sflag:$0x2] =	stream.linear.gather [hbm4b:s11+s4], $0x2780, $0x38;
	[tilespmem:$0x1D000] =	vst v63  }
0x2a: {  	_ =	swait.ge [sflag:s15], $0x2780  }
0x2b: {  	[sflag:s15] =	ssyncset.done $0x0  }
0x2c: {  	s22 =	simm.s32 $0x14000;
	[sflag:s15] =	ssyncadd.s32 $0xFFFFD880  }
0x2d: {  	[tilespmem:s19], [sflag:$0x1] =	stream.indirect.gather [hbm4b:s1+s18], $0x80, s22, s18, $0xb8;
	[tilespmem:$0x1D000] =	vst v63  }
0x2e: {  	_ =	swait.ge [sflag:s20], $0x4000  }
0x2f: {  	[sflag:s20] =	ssyncset.done $0x0  }
0x30: {  	s31 =	simm.s32 $0x16800;
	[sflag:s20] =	ssyncadd.s32 $0xFFFFC000  }
0x31: {  	[spmem:s3] =	stream.indirect.scatter.add.f32 [tilespmem:s19], [sflag:$0x2], $0x80, s31, s18, $0xb8;
	[tilespmem:$0x1D000] =	vst v63  }
0x32: {  	_ =	swait.ge [sflag:s15], $0x4000  }
0x33: {  	s23 =	simm.s32 $0x400;
	s22 =	simm.s32 $0x80;
	[sflag:s15] =	ssyncset.done $0x0  }
.LBB2_3:
0x34: {  	s24 =	sadd.s32 $0x14000, s22  }
0x35: {  	[sflag:s15] =	ssyncadd.s32 $0xFFFFC000;
	s25 =	smov.u32 s23;
	s26 =	sadd.s32 $0x200, s23  }
0x36: {  	[tilespmem:s19], [sflag:$0x1] =	stream.indirect.gather [hbm4b:s1+s18], $0x80, s24, s18, $0xb8;
	[tilespmem:$0x1D000] =	vst v63  }
0x37: {  	p1 =	seq.s32 s23, $0x9C00;
	_ =	swait.ge [sflag:s20], $0x4000  }
.Ltmp3:
0x38: {  	[sflag:s20] =	ssyncset.done $0x0;
	(pc) =	sbr.rel @!p1 .LBB2_3-.Ltmp3, $4  }
0x39: {  	s22 =	sadd.s32 $0x16800, s22;
	[sflag:s20] =	ssyncadd.s32 $0xFFFFC000  }
0x3a: {  	[spmem:s3] =	stream.indirect.scatter.add.f32 [tilespmem:s19], [sflag:$0x2], $0x80, s22, s18, $0xb8;
	[tilespmem:$0x1D000] =	vst v63  }
0x3b: {  	_ =	swait.ge [sflag:s15], $0x4000  }
0x3c: {  	s23 =	smov.u32 s26;
	s22 =	sshra.s32 s25, $0x2;
	[sflag:s15] =	ssyncset.done $0x0  }
0x3d: {  	s23 =	sadd.s32 $0x14000, s22;
	[sflag:s15] =	ssyncadd.s32 $0xFFFFC000  }
0x3e: {  	[tilespmem:s19], [sflag:$0x1] =	stream.indirect.gather [hbm4b:s1+s18], $0x80, s23, s18, $0xb8;
	[tilespmem:$0x1D000] =	vst v63  }
0x3f: {  	_ =	swait.ge [sflag:s20], $0x4000  }
0x40: {  	[sflag:s20] =	ssyncset.done $0x0  }
.Ltmp4:
0x41: {  	s31 =	sadd.s32 $0x16800, s22;
	[sflag:s20] =	ssyncadd.s32 $0xFFFFC000;
	(pc) =	sbr.rel .LBB2_8-.Ltmp4, $4  }
0x42: {  	[spmem:s3] =	stream.indirect.scatter.add.f32 [tilespmem:s19], [sflag:$0x2], $0x80, s31, s18, $0xb8;
	[tilespmem:$0x1D000] =	vst v63  }
0x43: {  	_ =	swait.ge [sflag:s15], $0x4000  }
0x44: {  	[sflag:s15] =	ssyncset.done $0x0  }
0x45: {  	s22 =	smov.u32 s7;
	[sflag:s15] =	ssyncadd.s32 $0xFFFFC000  }
.LBB2_5:
0x46: {  	[tilespmem:s19], [sflag:$0x1] =	stream.indirect.gather [hbm4b:s5+s18], $0x80, s22, s18, $0xb8;
	[tilespmem:$0x1D000] =	vst v63  }
0x47: {  	_ =	swait.ge [sflag:s20], $0x4000  }
0x48: {  	[sflag:s20] =	ssyncset.done $0x0  }
0x49: {  	s31 =	simm.s32 $0x16800;
	[sflag:s20] =	ssyncadd.s32 $0xFFFFC000  }
0x4a: {  	[spmem:s3] =	stream.indirect.scatter.add.f32 [tilespmem:s19], [sflag:$0x2], $0x80, s31, s18, $0xb8;
	[tilespmem:$0x1D000] =	vst v63  }
0x4b: {  	_ =	swait.ge [sflag:s15], $0x4000  }
0x4c: {  	s23 =	simm.s32 $0x400;
	s22 =	simm.s32 $0x80;
	[sflag:s15] =	ssyncset.done $0x0  }
.LBB2_6:
0x4d: {  	s24 =	sadd.s32 $0x14000, s22  }
0x4e: {  	[sflag:s15] =	ssyncadd.s32 $0xFFFFC000;
	s25 =	smov.u32 s23;
	s26 =	sadd.s32 $0x200, s23  }
0x4f: {  	[tilespmem:s19], [sflag:$0x1] =	stream.indirect.gather [hbm4b:s5+s18], $0x80, s24, s18, $0xb8;
	[tilespmem:$0x1D000] =	vst v63  }
0x50: {  	p1 =	sne.s32 s23, $0x9C00;
	_ =	swait.ge [sflag:s20], $0x4000  }
.Ltmp5:
0x51: {  	[sflag:s20] =	ssyncset.done $0x0;
	(pc) =	sbr.rel @p1 .LBB2_6-.Ltmp5, $4  }
0x52: {  	s22 =	sadd.s32 $0x16800, s22;
	[sflag:s20] =	ssyncadd.s32 $0xFFFFC000  }
0x53: {  	[spmem:s3] =	stream.indirect.scatter.add.f32 [tilespmem:s19], [sflag:$0x2], $0x80, s22, s18, $0xb8;
	[tilespmem:$0x1D000] =	vst v63  }
0x54: {  	_ =	swait.ge [sflag:s15], $0x4000  }
0x55: {  	s23 =	smov.u32 s26;
	s22 =	sshra.s32 s25, $0x2;
	[sflag:s15] =	ssyncset.done $0x0  }
.Ltmp6:
0x56: {  	_ = 	snop;
	(pc) =	sbr.rel .LBB2_7-.Ltmp6, $1  }
0x57: {  	_ =	sdelay $0x3  }
.LBB2_9:
0x58: {  	_ =	sfence.sel $0x180000  }
0x59: {  	[bflag:$0x0] =	sbarrier.arrive $0xFFFF  }
0x5a: {  	p0 =	sne.s32 s2, $0x0;
	_ =	strace $0x90000047  }
0x5b: {  	s0 =	sadd.s32 @!p0 $0x100000, s0;
	[bflag:$0x2] =	sbarrier.arrive $0xFFFF  }
0x5c: {  	[sflag:s0] =	ssyncadd.tile.s32 @!p0 $0x1;
	_ =	shalt  }
.Lfunc_end2:
_tile_overlayer_lowered:
.L_overlay_start_2:
0x5d: {  	(tag) =	ssettag $0x2  }
0x5e: {  	s0 =	rddreg [dreg:$0x0];
	s2 =	stileid.u32  }
0x5f: {  	s1 =	rddreg [dreg:$0x1];
	p0 =	sne.s32 s2, $0x0  }
0x60: {  	s3 =	rddreg [dreg:$0x2];
	[bflag:$0x3] =	sbarrier.arrive $0xFFFF;
	s2 =	simm.s32 @!p0 $0x1C02  }
0x61: {  	[timem:s3], [sflag:s2] =	dma.local @!p0 [hbm:s0], s1  }
0x62: {  	s0 =	simm.s32 @!p0 $0x2  }
0x63: {  	_ =	swait.ge @!p0 [sflag:s0], s1  }
0x64: {  	s1 =	ssub.s32 @!p0 $0x0, s1;
	[sflag:s0] =	ssyncset.done @!p0 $0x0  }
0x65: {  	[sflag:s0] =	ssyncadd.s32 @!p0 s1  }
0x66: {  	[bflag:$0x3] =	sbarrier.arrive $0xFFFF  }
0x67: {  	_ =	shalt  }

</sc_bundles>
